<compile_context>
chip_gen: v7x
topology: tpu7x:2x2x1
jax: 0.10.2.dev20260603
libtpu: 0.0.44.dev20260713+nightly
codegen_flags: <defaults>
</compile_context>

<pallas_src>
import functools

import jax
import jax.numpy as jnp
from jax import lax
from jax.experimental import pallas as pl
from jax.experimental.pallas import tpu as pltpu
from jax.experimental.pallas import tpu_sc as plsc

N = 10000
E = 320000
NUM_GRAPHS = 64
IN_CH = 128
HID = 16
HEADS = 8

NPAD = 10240
NW = 32
CH = 128
NCHUNK = 81
EPAD = NW * CH * NCHUNK
BLK = 1024
GRID = NPAD // BLK


def _mm2_body(x_ref, a_ref, b_ref, o1_ref, o2_ref):
    x = x_ref[...]
    o1_ref[...] = jnp.dot(x, a_ref[...], preferred_element_type=jnp.float32)
    o2_ref[...] = jnp.dot(x, b_ref[...], preferred_element_type=jnp.float32)


def _mm2(x, a, b):
    m = x.shape[0]
    return pl.pallas_call(
        _mm2_body,
        grid=(m // BLK,),
        in_specs=[
            pl.BlockSpec((BLK, x.shape[1]), lambda i: (i, 0)),
            pl.BlockSpec(a.shape, lambda i: (0, 0)),
            pl.BlockSpec(b.shape, lambda i: (0, 0)),
        ],
        out_specs=[
            pl.BlockSpec((BLK, a.shape[1]), lambda i: (i, 0)),
            pl.BlockSpec((BLK, b.shape[1]), lambda i: (i, 0)),
        ],
        out_shape=[
            jax.ShapeDtypeStruct((m, a.shape[1]), jnp.float32),
            jax.ShapeDtypeStruct((m, b.shape[1]), jnp.float32),
        ],
    )(x, a, b)


def _norm_mm2_body(p_ref, e_ref, bias_ref, a_ref, b_ref, o1_ref, o2_ref):
    acc = p_ref[0] + p_ref[1]
    msg = acc[:, :IN_CH]
    den = acc[:, IN_CH:IN_CH + HEADS]
    den_exp = jnp.dot(den, e_ref[...], preferred_element_type=jnp.float32)
    x2 = jnp.maximum(msg / (den_exp + 1e-16) + bias_ref[...], 0.0)
    o1_ref[...] = jnp.dot(x2, a_ref[...], preferred_element_type=jnp.float32)
    o2_ref[...] = jnp.dot(x2, b_ref[...], preferred_element_type=jnp.float32)


def _norm_mm2(p, e, bias, a, b):
    return pl.pallas_call(
        _norm_mm2_body,
        grid=(GRID,),
        in_specs=[
            pl.BlockSpec((2, BLK, IN_CH + HID), lambda i: (0, i, 0)),
            pl.BlockSpec(e.shape, lambda i: (0, 0)),
            pl.BlockSpec(bias.shape, lambda i: (0, 0)),
            pl.BlockSpec(a.shape, lambda i: (0, 0)),
            pl.BlockSpec(b.shape, lambda i: (0, 0)),
        ],
        out_specs=[
            pl.BlockSpec((BLK, a.shape[1]), lambda i: (i, 0)),
            pl.BlockSpec((BLK, b.shape[1]), lambda i: (i, 0)),
        ],
        out_shape=[
            jax.ShapeDtypeStruct((NPAD, a.shape[1]), jnp.float32),
            jax.ShapeDtypeStruct((NPAD, b.shape[1]), jnp.float32),
        ],
    )(p, e, bias, a, b)


def _pool_body(p_ref, batch_ref, bias_ref, o_ref, sums, cnts):
    i = pl.program_id(0)
    acc = p_ref[0] + p_ref[1]
    o2 = acc[:, :HID] / (acc[:, HID:HID + 1] + 1e-16) + bias_ref[...]
    bv = batch_ref[0, 0, :]
    gid = lax.broadcasted_iota(jnp.int32, (BLK, NUM_GRAPHS), 1)
    oh = (bv[:, None] == gid).astype(jnp.float32)
    s = lax.dot_general(oh, o2, (((0,), (0,)), ((), ())),
                        preferred_element_type=jnp.float32)
    c = lax.dot_general(oh, jnp.ones((BLK, 1), jnp.float32),
                        (((0,), (0,)), ((), ())),
                        preferred_element_type=jnp.float32)

    @pl.when(i == 0)
    def _():
        sums[...] = s
        cnts[...] = c

    @pl.when(i > 0)
    def _():
        sums[...] += s
        cnts[...] += c

    @pl.when(i == GRID - 1)
    def _():
        o_ref[...] = sums[...] / jnp.maximum(cnts[...], 1.0)


def _pool(p, batch3, bias):
    return pl.pallas_call(
        _pool_body,
        grid=(GRID,),
        in_specs=[
            pl.BlockSpec((2, BLK, 2 * HID), lambda i: (0, i, 0)),
            pl.BlockSpec((1, 1, BLK), lambda i: (i, 0, 0)),
            pl.BlockSpec(bias.shape, lambda i: (0, 0)),
        ],
        out_specs=pl.BlockSpec((NUM_GRAPHS, HID), lambda i: (0, 0)),
        out_shape=jax.ShapeDtypeStruct((NUM_GRAPHS, HID), jnp.float32),
        scratch_shapes=[
            pltpu.VMEM((NUM_GRAPHS, HID), jnp.float32),
            pltpu.VMEM((NUM_GRAPHS, 1), jnp.float32),
        ],
    )(p, batch3, bias)


def _make_edge_pass(dh):
    R = dh + 16
    epw = EPAD // NW
    rows_per_tile = NPAD // 16
    nzcopy = rows_per_tile // CH
    mesh = plsc.VectorSubcoreMesh(core_axis_name="c", subcore_axis_name="s")

    @functools.partial(
        pl.kernel, mesh=mesh,
        compiler_params=pltpu.CompilerParams(use_tc_tiling_on_sc=False),
        out_type=jax.ShapeDtypeStruct((2, NPAD, R), jnp.float32),
        scratch_types=[
            pltpu.VMEM((CH,), jnp.int32),
            pltpu.VMEM((CH,), jnp.int32),
            pltpu.VMEM((CH, R), jnp.float32),
            pltpu.VMEM((CH, 16), jnp.float32),
            pltpu.VMEM_SHARED((NPAD, R), jnp.float32),
            pltpu.SemaphoreType.DMA,
            pltpu.SemaphoreType.DMA,
        ],
    )
    def edge_pass(htab, ttab, src_hbm, dst_hbm, out_hbm,
                  src_v, dst_v, buf, tbuf, accum, sem1, sem2):
        cid = lax.axis_index("c")
        sid = lax.axis_index("s")
        wid = cid * 16 + sid
        row0 = sid * rows_per_tile

        def zrow(r, carry):
            for j in range(R // 16):
                buf[r, pl.ds(j * 16, 16)] = jnp.zeros((16,), jnp.float32)
            return carry
        lax.fori_loop(0, CH, zrow, 0)
        for j in range(nzcopy):
            pltpu.sync_copy(buf, accum.at[pl.ds(row0 + j * CH, CH)])
        plsc.subcore_barrier()

        base = wid * epw

        def chunk(i, carry):
            off = base + i * CH
            pltpu.sync_copy(src_hbm.at[pl.ds(off, CH)], src_v)
            pltpu.sync_copy(dst_hbm.at[pl.ds(off, CH)], dst_v)
            cp1 = pltpu.async_copy(htab.at[src_v], buf, sem1)
            cp2 = pltpu.async_copy(ttab.at[dst_v], tbuf, sem2)
            cp1.wait()
            cp2.wait()

            def edge(e, c2):
                s = buf[e, pl.ds(dh, 16)] + tbuf[e, :]
                s = jnp.maximum(s, s * 0.2)
                w = jnp.exp(s)
                buf[e, pl.ds(dh, 16)] = w
                for hd in range(dh // 16):
                    buf[e, pl.ds(hd * 16, 16)] = buf[e, pl.ds(hd * 16, 16)] * w[hd]
                return c2
            lax.fori_loop(0, CH, edge, 0)
            pltpu.sync_copy(buf, accum.at[dst_v], add=True)
            return carry
        lax.fori_loop(0, NCHUNK, chunk, 0)

        plsc.subcore_barrier()
        pltpu.sync_copy(accum.at[pl.ds(row0, rows_per_tile)],
                        out_hbm.at[cid, pl.ds(row0, rows_per_tile)])

    return edge_pass


_edge_pass_1 = _make_edge_pass(IN_CH)
_edge_pass_2 = _make_edge_pass(HID)


def kernel(x, edge_index, edge_attr, batch, W1, a_src1, a_dst1, b1,
           W2, a_src2, a_dst2, b2):
    del edge_attr
    W1r = W1.reshape(IN_CH, HEADS, HID)
    ws1 = jnp.einsum('ihc,hc->ih', W1r, a_src1)
    wd1 = jnp.einsum('ihc,hc->ih', W1r, a_dst1)
    B1a = jnp.concatenate([W1, ws1, ws1], axis=1)
    B1b = jnp.concatenate([wd1, wd1], axis=1)
    ws2 = (W2 @ a_src2[0])[:, None]
    wd2 = (W2 @ a_dst2[0])[:, None]
    B2a = jnp.concatenate([W2, jnp.tile(ws2, (1, HID))], axis=1)
    B2b = jnp.tile(wd2, (1, HID))

    xp = jnp.zeros((NPAD, IN_CH), jnp.float32).at[:N].set(x)
    idx_dtype = edge_index.dtype
    loop = jnp.arange(N, dtype=idx_dtype)
    fake = jnp.full((EPAD - E - N,), N, dtype=idx_dtype)
    src = jnp.concatenate([edge_index[0], loop, fake]).astype(jnp.int32)
    dst = jnp.concatenate([edge_index[1], loop, fake]).astype(jnp.int32)

    hrow = lax.broadcasted_iota(jnp.int32, (HEADS, IN_CH), 0)
    hcol = lax.broadcasted_iota(jnp.int32, (HEADS, IN_CH), 1) // HID
    e_exp = (hrow == hcol).astype(jnp.float32)

    batch_pad = jnp.concatenate(
        [batch.astype(jnp.int32),
         jnp.full((NPAD - N,), NUM_GRAPHS, jnp.int32)]).reshape(GRID, 1, BLK)

    h1, t1 = _mm2(xp, B1a, B1b)
    p1 = _edge_pass_1(h1, t1, src, dst)
    h2, t2 = _norm_mm2(p1, e_exp, b1.reshape(1, IN_CH), B2a, B2b)
    p2 = _edge_pass_2(h2, t2, src, dst)
    return _pool(p2, batch_pad, b2.reshape(1, HID))

# --- scband reference (transcript-rebuilt; emitter-appended) ---
"""Pipeline reference for scband-gatfeature-extractor-31482110280385 (READ-ONLY COPY).

The authoritative reference and input builder live on the scoring server;
editing this copy changes nothing except your own understanding.
"""

import jax, jax.numpy as jnp
import numpy as np

N = 10000
E = 320000
NUM_GRAPHS = 64
IN_CH = 128
HID = 16
HEADS = 8


def setup_inputs(seed: int = 0) -> dict:
    key = jax.random.key(seed)
    ks = jax.random.split(key, 12)
    x = jax.random.normal(ks[0], (N, IN_CH), dtype=jnp.float32)
    edge_index = jax.random.randint(ks[1], (2, E), 0, N)
    edge_attr = jax.random.normal(ks[2], (E, 4), dtype=jnp.float32)
    batch = jnp.sort(jax.random.randint(ks[3], (N,), 0, NUM_GRAPHS))
    # GAT layer 1: in=128 -> heads=8, out=16 (concat -> 128)
    W1 = jax.random.normal(ks[4], (IN_CH, HEADS * HID), dtype=jnp.float32) * 0.1
    a_src1 = jax.random.normal(ks[5], (HEADS, HID), dtype=jnp.float32) * 0.1
    a_dst1 = jax.random.normal(ks[6], (HEADS, HID), dtype=jnp.float32) * 0.1
    b1 = jnp.zeros((HEADS * HID,), dtype=jnp.float32)
    # GAT layer 2: in=128 -> heads=1, out=16
    W2 = jax.random.normal(ks[7], (HEADS * HID, HID), dtype=jnp.float32) * 0.1
    a_src2 = jax.random.normal(ks[8], (1, HID), dtype=jnp.float32) * 0.1
    a_dst2 = jax.random.normal(ks[9], (1, HID), dtype=jnp.float32) * 0.1
    b2 = jnp.zeros((HID,), dtype=jnp.float32)
    return {"x": x, "edge_index": edge_index, "edge_attr": edge_attr, "batch": batch,
            "W1": W1, "a_src1": a_src1, "a_dst1": a_dst1, "b1": b1,
            "W2": W2, "a_src2": a_src2, "a_dst2": a_dst2, "b2": b2}


def _gat_layer(x, src, dst, W, a_src, a_dst, bias, heads, out_ch):
    n = x.shape[0]
    h = (x @ W).reshape(n, heads, out_ch)
    alpha_src = jnp.sum(h * a_src[None, :, :], axis=-1)  # [N, H]
    alpha_dst = jnp.sum(h * a_dst[None, :, :], axis=-1)  # [N, H]
    e = jax.nn.leaky_relu(alpha_src[src] + alpha_dst[dst], negative_slope=0.2)  # [Etot, H]
    e_max = jax.ops.segment_max(e, dst, num_segments=n)
    e_max = jnp.where(jnp.isfinite(e_max), e_max, 0.0)
    e = jnp.exp(e - e_max[dst])
    denom = jax.ops.segment_sum(e, dst, num_segments=n)
    alpha = e / (denom[dst] + 1e-16)  # softmax over incoming edges per dst, per head
    msg = h[src] * alpha[:, :, None]
    out = jax.ops.segment_sum(msg, dst, num_segments=n)  # [N, H, C]
    out = out.reshape(n, heads * out_ch)
    return out + bias


def reference(x, edge_index, edge_attr, batch, W1, a_src1, a_dst1, b1, W2, a_src2, a_dst2, b2):
    # edge_attr is ignored by GATConv when edge_dim is None (as in the torch module)
    n = x.shape[0]
    loop = jnp.arange(n, dtype=edge_index.dtype)
    src = jnp.concatenate([edge_index[0], loop])  # add_self_loops=True
    dst = jnp.concatenate([edge_index[1], loop])
    h = jax.nn.relu(_gat_layer(x, src, dst, W1, a_src1, a_dst1, b1, HEADS, HID))
    # dropout is a no-op in eval mode
    h = _gat_layer(h, src, dst, W2, a_src2, a_dst2, b2, 1, HID)
    # global_mean_pool over batch ids
    sums = jax.ops.segment_sum(h, batch, num_segments=NUM_GRAPHS)
    counts = jax.ops.segment_sum(jnp.ones((n, 1), dtype=h.dtype), batch, num_segments=NUM_GRAPHS)
    return sums / jnp.maximum(counts, 1.0)

if __name__ == "__main__":
    import jax
    _d = setup_inputs()
    print(jax.jit(kernel)(*tuple(_d.values())))

</pallas_src>

<mosaic_0001>
#map = affine_map<(d0, d1) -> (0, 0)>
#map1 = affine_map<(d0, d1) -> (0)>
#map2 = affine_map<(d0, d1) -> (0, 0, 0)>
module attributes {stable_mosaic.version = 14 : i64} {
  func.func @edge_pass(%arg0: i32, %arg1: i32, %arg2: memref<10240x32xf32, #tpu.memory_space<hbm>>, %arg3: memref<10240x16xf32, #tpu.memory_space<hbm>>, %arg4: memref<331776xi32, #tpu.memory_space<hbm>>, %arg5: memref<331776xi32, #tpu.memory_space<hbm>>, %arg6: memref<2x10240x32xf32, #tpu.memory_space<hbm>>, %arg7: memref<128xi32, #tpu.memory_space<vmem>>, %arg8: memref<128xi32, #tpu.memory_space<vmem>>, %arg9: memref<128x32xf32, #tpu.memory_space<vmem>>, %arg10: memref<128x16xf32, #tpu.memory_space<vmem>>, %arg11: memref<10240x32xf32, #tpu.memory_space<vmem_shared>>, %arg12: memref<!tpu.dma_semaphore, #tpu.memory_space<semaphore_mem>>, %arg13: memref<!tpu.dma_semaphore, #tpu.memory_space<semaphore_mem>>) attributes {dimension_semantics = [#tpu.dimension_semantics<core_parallel>, #tpu.dimension_semantics<subcore_parallel>], iteration_bounds = array<i64: 2, 16>, scalar_prefetch = 0 : i64, scratch_operands = 7 : i64, tpu.core_type = #tpu.core_type<sc_vector_subcore>, window_params = [{transform_indices = #map}, {transform_indices = #map}, {transform_indices = #map1}, {transform_indices = #map1}, {transform_indices = #map2}]} {
    %mul3A = arith.constant 16 : i32
    %mul3A_0 = arith.muli %arg0, %mul3A : i32
    %add3A = arith.addi %mul3A_0, %arg1 : i32
    %mul3A_1 = arith.constant 640 : i32
    %mul3A_2 = arith.muli %arg1, %mul3A_1 : i32
    %scan3A = arith.constant 0 : i32
    %scan3A_3 = arith.constant 0 : i32
    %scan3A_4 = arith.constant 128 : i32
    %scan3A_5 = arith.addi %scan3A_3, %scan3A_4 : i32
    %scan3A_6 = arith.constant 1 : i32
    scf.for %scan3A_27 = %scan3A_3 to %scan3A_5 step %scan3A_6  : i32 {
      %broadcast_in_dim3A = arith.constant 0.000000e+00 : f32
      %broadcast_in_dim3A_28 = vector.broadcast %broadcast_in_dim3A : f32 to vector<16xf32>
      %swap3A = arith.index_cast %scan3A_27 : i32 to index
      %swap3A_29 = arith.constant 0 : index
      %swap3A_30 = tpu.vector_load %arg9[%swap3A, %swap3A_29] {strides = array<i32>} : memref<128x32xf32, #tpu.memory_space<vmem>>, vector<1x16xf32>,
      %swap3A_31 = vector.shape_cast %swap3A_30 : vector<1x16xf32> to vector<16xf32>
      %swap3A_32 = vector.shape_cast %broadcast_in_dim3A_28 : vector<16xf32> to vector<1x16xf32>
      tpu.vector_store %arg9[%swap3A, %swap3A_29], %swap3A_32 {strides = array<i32>} : memref<128x32xf32, #tpu.memory_space<vmem>>, vector<1x16xf32>,
      %broadcast_in_dim3A_33 = arith.constant 0.000000e+00 : f32
      %broadcast_in_dim3A_34 = vector.broadcast %broadcast_in_dim3A_33 : f32 to vector<16xf32>
      %swap3A_35 = arith.index_cast %scan3A_27 : i32 to index
      %swap3A_36 = arith.constant 16 : index
      %swap3A_37 = tpu.vector_load %arg9[%swap3A_35, %swap3A_36] {strides = array<i32>} : memref<128x32xf32, #tpu.memory_space<vmem>>, vector<1x16xf32>,
      %swap3A_38 = vector.shape_cast %swap3A_37 : vector<1x16xf32> to vector<16xf32>
      %swap3A_39 = vector.shape_cast %broadcast_in_dim3A_34 : vector<16xf32> to vector<1x16xf32>
      tpu.vector_store %arg9[%swap3A_35, %swap3A_36], %swap3A_39 {strides = array<i32>} : memref<128x32xf32, #tpu.memory_space<vmem>>, vector<1x16xf32>,
    }
    %scan3A_7 = arith.constant 128 : i32
    %add3A_8 = arith.constant 0 : i32
    %add3A_9 = arith.addi %mul3A_2, %add3A_8 : i32
    "tpu.region"() ({
      %run_scoped3A = tpu.sem_alloc : memref<!tpu.dma_semaphore, #tpu.memory_space<semaphore_mem>>
      %dma_start3A = arith.constant 0 : i32
      %dma_start3A_27 = tpu.memref_slice %arg11[%add3A_9, %dma_start3A] : memref<10240x32xf32, #tpu.memory_space<vmem_shared>> -> memref<128x32xf32, #tpu.memory_space<vmem_shared>>
      %dma_start3A_28 = arith.constant 0 : i32
      %dma_start3A_29 = tpu.memref_slice %arg11[%add3A_9, %dma_start3A_28] : memref<10240x32xf32, #tpu.memory_space<vmem_shared>> -> memref<128x32xf32, #tpu.memory_space<vmem_shared>>
      tpu.enqueue_dma source(%arg9 : memref<128x32xf32, #tpu.memory_space<vmem>>) target(%dma_start3A_29 : memref<128x32xf32, #tpu.memory_space<vmem_shared>>) target_semaphore(%run_scoped3A : memref<!tpu.dma_semaphore, #tpu.memory_space<semaphore_mem>>)
      %dma_wait3A = arith.constant 0 : i32
      %dma_wait3A_30 = tpu.memref_slice %arg11[%add3A_9, %dma_wait3A] : memref<10240x32xf32, #tpu.memory_space<vmem_shared>> -> memref<128x32xf32, #tpu.memory_space<vmem_shared>>
      %dma_wait3A_31 = arith.constant 0 : i32
      %dma_wait3A_32 = tpu.memref_slice %arg11[%add3A_9, %dma_wait3A_31] : memref<10240x32xf32, #tpu.memory_space<vmem_shared>> -> memref<128x32xf32, #tpu.memory_space<vmem_shared>>
      tpu.wait_dma2 semaphore(%run_scoped3A : memref<!tpu.dma_semaphore, #tpu.memory_space<semaphore_mem>>) src(%arg9 : memref<128x32xf32, #tpu.memory_space<vmem>>) dst(%dma_wait3A_32 : memref<128x32xf32, #tpu.memory_space<vmem_shared>>)
      tpu.yield
    }) : () -> ()
    %add3A_10 = arith.constant 128 : i32
    %add3A_11 = arith.addi %mul3A_2, %add3A_10 : i32
    "tpu.region"() ({
      %run_scoped3A = tpu.sem_alloc : memref<!tpu.dma_semaphore, #tpu.memory_space<semaphore_mem>>
      %dma_start3A = arith.constant 0 : i32
      %dma_start3A_27 = tpu.memref_slice %arg11[%add3A_11, %dma_start3A] : memref<10240x32xf32, #tpu.memory_space<vmem_shared>> -> memref<128x32xf32, #tpu.memory_space<vmem_shared>>
      %dma_start3A_28 = arith.constant 0 : i32
      %dma_start3A_29 = tpu.memref_slice %arg11[%add3A_11, %dma_start3A_28] : memref<10240x32xf32, #tpu.memory_space<vmem_shared>> -> memref<128x32xf32, #tpu.memory_space<vmem_shared>>
      tpu.enqueue_dma source(%arg9 : memref<128x32xf32, #tpu.memory_space<vmem>>) target(%dma_start3A_29 : memref<128x32xf32, #tpu.memory_space<vmem_shared>>) target_semaphore(%run_scoped3A : memref<!tpu.dma_semaphore, #tpu.memory_space<semaphore_mem>>)
      %dma_wait3A = arith.constant 0 : i32
      %dma_wait3A_30 = tpu.memref_slice %arg11[%add3A_11, %dma_wait3A] : memref<10240x32xf32, #tpu.memory_space<vmem_shared>> -> memref<128x32xf32, #tpu.memory_space<vmem_shared>>
      %dma_wait3A_31 = arith.constant 0 : i32
      %dma_wait3A_32 = tpu.memref_slice %arg11[%add3A_11, %dma_wait3A_31] : memref<10240x32xf32, #tpu.memory_space<vmem_shared>> -> memref<128x32xf32, #tpu.memory_space<vmem_shared>>
      tpu.wait_dma2 semaphore(%run_scoped3A : memref<!tpu.dma_semaphore, #tpu.memory_space<semaphore_mem>>) src(%arg9 : memref<128x32xf32, #tpu.memory_space<vmem>>) dst(%dma_wait3A_32 : memref<128x32xf32, #tpu.memory_space<vmem_shared>>)
      tpu.yield
    }) : () -> ()
    %add3A_12 = arith.constant 256 : i32
    %add3A_13 = arith.addi %mul3A_2, %add3A_12 : i32
    "tpu.region"() ({
      %run_scoped3A = tpu.sem_alloc : memref<!tpu.dma_semaphore, #tpu.memory_space<semaphore_mem>>
      %dma_start3A = arith.constant 0 : i32
      %dma_start3A_27 = tpu.memref_slice %arg11[%add3A_13, %dma_start3A] : memref<10240x32xf32, #tpu.memory_space<vmem_shared>> -> memref<128x32xf32, #tpu.memory_space<vmem_shared>>
      %dma_start3A_28 = arith.constant 0 : i32
      %dma_start3A_29 = tpu.memref_slice %arg11[%add3A_13, %dma_start3A_28] : memref<10240x32xf32, #tpu.memory_space<vmem_shared>> -> memref<128x32xf32, #tpu.memory_space<vmem_shared>>
      tpu.enqueue_dma source(%arg9 : memref<128x32xf32, #tpu.memory_space<vmem>>) target(%dma_start3A_29 : memref<128x32xf32, #tpu.memory_space<vmem_shared>>) target_semaphore(%run_scoped3A : memref<!tpu.dma_semaphore, #tpu.memory_space<semaphore_mem>>)
      %dma_wait3A = arith.constant 0 : i32
      %dma_wait3A_30 = tpu.memref_slice %arg11[%add3A_13, %dma_wait3A] : memref<10240x32xf32, #tpu.memory_space<vmem_shared>> -> memref<128x32xf32, #tpu.memory_space<vmem_shared>>
      %dma_wait3A_31 = arith.constant 0 : i32
      %dma_wait3A_32 = tpu.memref_slice %arg11[%add3A_13, %dma_wait3A_31] : memref<10240x32xf32, #tpu.memory_space<vmem_shared>> -> memref<128x32xf32, #tpu.memory_space<vmem_shared>>
      tpu.wait_dma2 semaphore(%run_scoped3A : memref<!tpu.dma_semaphore, #tpu.memory_space<semaphore_mem>>) src(%arg9 : memref<128x32xf32, #tpu.memory_space<vmem>>) dst(%dma_wait3A_32 : memref<128x32xf32, #tpu.memory_space<vmem_shared>>)
      tpu.yield
    }) : () -> ()
    %add3A_14 = arith.constant 384 : i32
    %add3A_15 = arith.addi %mul3A_2, %add3A_14 : i32
    "tpu.region"() ({
      %run_scoped3A = tpu.sem_alloc : memref<!tpu.dma_semaphore, #tpu.memory_space<semaphore_mem>>
      %dma_start3A = arith.constant 0 : i32
      %dma_start3A_27 = tpu.memref_slice %arg11[%add3A_15, %dma_start3A] : memref<10240x32xf32, #tpu.memory_space<vmem_shared>> -> memref<128x32xf32, #tpu.memory_space<vmem_shared>>
      %dma_start3A_28 = arith.constant 0 : i32
      %dma_start3A_29 = tpu.memref_slice %arg11[%add3A_15, %dma_start3A_28] : memref<10240x32xf32, #tpu.memory_space<vmem_shared>> -> memref<128x32xf32, #tpu.memory_space<vmem_shared>>
      tpu.enqueue_dma source(%arg9 : memref<128x32xf32, #tpu.memory_space<vmem>>) target(%dma_start3A_29 : memref<128x32xf32, #tpu.memory_space<vmem_shared>>) target_semaphore(%run_scoped3A : memref<!tpu.dma_semaphore, #tpu.memory_space<semaphore_mem>>)
      %dma_wait3A = arith.constant 0 : i32
      %dma_wait3A_30 = tpu.memref_slice %arg11[%add3A_15, %dma_wait3A] : memref<10240x32xf32, #tpu.memory_space<vmem_shared>> -> memref<128x32xf32, #tpu.memory_space<vmem_shared>>
      %dma_wait3A_31 = arith.constant 0 : i32
      %dma_wait3A_32 = tpu.memref_slice %arg11[%add3A_15, %dma_wait3A_31] : memref<10240x32xf32, #tpu.memory_space<vmem_shared>> -> memref<128x32xf32, #tpu.memory_space<vmem_shared>>
      tpu.wait_dma2 semaphore(%run_scoped3A : memref<!tpu.dma_semaphore, #tpu.memory_space<semaphore_mem>>) src(%arg9 : memref<128x32xf32, #tpu.memory_space<vmem>>) dst(%dma_wait3A_32 : memref<128x32xf32, #tpu.memory_space<vmem_shared>>)
      tpu.yield
    }) : () -> ()
    %add3A_16 = arith.constant 512 : i32
    %add3A_17 = arith.addi %mul3A_2, %add3A_16 : i32
    "tpu.region"() ({
      %run_scoped3A = tpu.sem_alloc : memref<!tpu.dma_semaphore, #tpu.memory_space<semaphore_mem>>
      %dma_start3A = arith.constant 0 : i32
      %dma_start3A_27 = tpu.memref_slice %arg11[%add3A_17, %dma_start3A] : memref<10240x32xf32, #tpu.memory_space<vmem_shared>> -> memref<128x32xf32, #tpu.memory_space<vmem_shared>>
      %dma_start3A_28 = arith.constant 0 : i32
      %dma_start3A_29 = tpu.memref_slice %arg11[%add3A_17, %dma_start3A_28] : memref<10240x32xf32, #tpu.memory_space<vmem_shared>> -> memref<128x32xf32, #tpu.memory_space<vmem_shared>>
      tpu.enqueue_dma source(%arg9 : memref<128x32xf32, #tpu.memory_space<vmem>>) target(%dma_start3A_29 : memref<128x32xf32, #tpu.memory_space<vmem_shared>>) target_semaphore(%run_scoped3A : memref<!tpu.dma_semaphore, #tpu.memory_space<semaphore_mem>>)
      %dma_wait3A = arith.constant 0 : i32
      %dma_wait3A_30 = tpu.memref_slice %arg11[%add3A_17, %dma_wait3A] : memref<10240x32xf32, #tpu.memory_space<vmem_shared>> -> memref<128x32xf32, #tpu.memory_space<vmem_shared>>
      %dma_wait3A_31 = arith.constant 0 : i32
      %dma_wait3A_32 = tpu.memref_slice %arg11[%add3A_17, %dma_wait3A_31] : memref<10240x32xf32, #tpu.memory_space<vmem_shared>> -> memref<128x32xf32, #tpu.memory_space<vmem_shared>>
      tpu.wait_dma2 semaphore(%run_scoped3A : memref<!tpu.dma_semaphore, #tpu.memory_space<semaphore_mem>>) src(%arg9 : memref<128x32xf32, #tpu.memory_space<vmem>>) dst(%dma_wait3A_32 : memref<128x32xf32, #tpu.memory_space<vmem_shared>>)
      tpu.yield
    }) : () -> ()
    %barrier3A = arith.constant 0 : index
    tpu.barrier barrier_id(%barrier3A)
    %mul3A_18 = arith.constant 10368 : i32
    %mul3A_19 = arith.muli %add3A, %mul3A_18 : i32
    %scan3A_20 = arith.constant 0 : i32
    %scan3A_21 = arith.constant 0 : i32
    %scan3A_22 = arith.constant 81 : i32
    %scan3A_23 = arith.addi %scan3A_21, %scan3A_22 : i32
    %scan3A_24 = arith.constant 1 : i32
    scf.for %scan3A_27 = %scan3A_21 to %scan3A_23 step %scan3A_24  : i32 {
      %mul3A_28 = arith.constant 128 : i32
      %mul3A_29 = arith.muli %scan3A_27, %mul3A_28 : i32
      %add3A_30 = arith.addi %mul3A_19, %mul3A_29 : i32
      "tpu.region"() ({
        %run_scoped3A = tpu.sem_alloc : memref<!tpu.dma_semaphore, #tpu.memory_space<semaphore_mem>>
        %dma_start3A_47 = tpu.memref_slice %arg4[%add3A_30] : memref<331776xi32, #tpu.memory_space<hbm>> -> memref<128xi32, #tpu.memory_space<hbm>>
        %dma_start3A_48 = tpu.memref_slice %arg4[%add3A_30] : memref<331776xi32, #tpu.memory_space<hbm>> -> memref<128xi32, #tpu.memory_space<hbm>>
        tpu.enqueue_dma source(%dma_start3A_48 : memref<128xi32, #tpu.memory_space<hbm>>) target(%arg7 : memref<128xi32, #tpu.memory_space<vmem>>) target_semaphore(%run_scoped3A : memref<!tpu.dma_semaphore, #tpu.memory_space<semaphore_mem>>)
        %dma_wait3A_49 = tpu.memref_slice %arg4[%add3A_30] : memref<331776xi32, #tpu.memory_space<hbm>> -> memref<128xi32, #tpu.memory_space<hbm>>
        %dma_wait3A_50 = tpu.memref_slice %arg4[%add3A_30] : memref<331776xi32, #tpu.memory_space<hbm>> -> memref<128xi32, #tpu.memory_space<hbm>>
        tpu.wait_dma2 semaphore(%run_scoped3A : memref<!tpu.dma_semaphore, #tpu.memory_space<semaphore_mem>>) src(%dma_wait3A_50 : memref<128xi32, #tpu.memory_space<hbm>>) dst(%arg7 : memref<128xi32, #tpu.memory_space<vmem>>)
        tpu.yield
      }) : () -> ()
      "tpu.region"() ({
        %run_scoped3A = tpu.sem_alloc : memref<!tpu.dma_semaphore, #tpu.memory_space<semaphore_mem>>
        %dma_start3A_47 = tpu.memref_slice %arg5[%add3A_30] : memref<331776xi32, #tpu.memory_space<hbm>> -> memref<128xi32, #tpu.memory_space<hbm>>
        %dma_start3A_48 = tpu.memref_slice %arg5[%add3A_30] : memref<331776xi32, #tpu.memory_space<hbm>> -> memref<128xi32, #tpu.memory_space<hbm>>
        tpu.enqueue_dma source(%dma_start3A_48 : memref<128xi32, #tpu.memory_space<hbm>>) target(%arg8 : memref<128xi32, #tpu.memory_space<vmem>>) target_semaphore(%run_scoped3A : memref<!tpu.dma_semaphore, #tpu.memory_space<semaphore_mem>>)
        %dma_wait3A_49 = tpu.memref_slice %arg5[%add3A_30] : memref<331776xi32, #tpu.memory_space<hbm>> -> memref<128xi32, #tpu.memory_space<hbm>>
        %dma_wait3A_50 = tpu.memref_slice %arg5[%add3A_30] : memref<331776xi32, #tpu.memory_space<hbm>> -> memref<128xi32, #tpu.memory_space<hbm>>
        tpu.wait_dma2 semaphore(%run_scoped3A : memref<!tpu.dma_semaphore, #tpu.memory_space<semaphore_mem>>) src(%dma_wait3A_50 : memref<128xi32, #tpu.memory_space<hbm>>) dst(%arg8 : memref<128xi32, #tpu.memory_space<vmem>>)
        tpu.yield
      }) : () -> ()
      %dma_start3A = arith.constant 0 : i32
      %dma_start3A_31 = arith.constant 0 : i32
      %dma_start3A_32 = tpu.memref_slice %arg2[%dma_start3A, %dma_start3A_31] : memref<10240x32xf32, #tpu.memory_space<hbm>> -> memref<10240x32xf32, #tpu.memory_space<hbm>>
      tpu.enqueue_indirect_dma source(%dma_start3A_32 : memref<10240x32xf32, #tpu.memory_space<hbm>>) target(%arg9 : memref<128x32xf32, #tpu.memory_space<vmem>>) offsets(%arg7 : memref<128xi32, #tpu.memory_space<vmem>>) semaphore(%arg12 : memref<!tpu.dma_semaphore, #tpu.memory_space<semaphore_mem>>)
      %dma_start3A_33 = arith.constant 0 : i32
      %dma_start3A_34 = arith.constant 0 : i32
      %dma_start3A_35 = tpu.memref_slice %arg3[%dma_start3A_33, %dma_start3A_34] : memref<10240x16xf32, #tpu.memory_space<hbm>> -> memref<10240x16xf32, #tpu.memory_space<hbm>>
      tpu.enqueue_indirect_dma source(%dma_start3A_35 : memref<10240x16xf32, #tpu.memory_space<hbm>>) target(%arg10 : memref<128x16xf32, #tpu.memory_space<vmem>>) offsets(%arg8 : memref<128xi32, #tpu.memory_space<vmem>>) semaphore(%arg13 : memref<!tpu.dma_semaphore, #tpu.memory_space<semaphore_mem>>)
      %dma_wait3A = arith.constant 0 : i32
      %dma_wait3A_36 = arith.constant 0 : i32
      %dma_wait3A_37 = tpu.memref_slice %arg2[%dma_wait3A, %dma_wait3A_36] : memref<10240x32xf32, #tpu.memory_space<hbm>> -> memref<10240x32xf32, #tpu.memory_space<hbm>>
      tpu.wait_indirect_dma semaphore(%arg12 : memref<!tpu.dma_semaphore, #tpu.memory_space<semaphore_mem>>) src(%dma_wait3A_37 : memref<10240x32xf32, #tpu.memory_space<hbm>>) dst(%arg9 : memref<128x32xf32, #tpu.memory_space<vmem>>)
      %dma_wait3A_38 = arith.constant 0 : i32
      %dma_wait3A_39 = arith.constant 0 : i32
      %dma_wait3A_40 = tpu.memref_slice %arg3[%dma_wait3A_38, %dma_wait3A_39] : memref<10240x16xf32, #tpu.memory_space<hbm>> -> memref<10240x16xf32, #tpu.memory_space<hbm>>
      tpu.wait_indirect_dma semaphore(%arg13 : memref<!tpu.dma_semaphore, #tpu.memory_space<semaphore_mem>>) src(%dma_wait3A_40 : memref<10240x16xf32, #tpu.memory_space<hbm>>) dst(%arg10 : memref<128x16xf32, #tpu.memory_space<vmem>>)
      %scan3A_41 = arith.constant 0 : i32
      %scan3A_42 = arith.constant 0 : i32
      %scan3A_43 = arith.constant 128 : i32
      %scan3A_44 = arith.addi %scan3A_42, %scan3A_43 : i32
      %scan3A_45 = arith.constant 1 : i32
      scf.for %scan3A_47 = %scan3A_42 to %scan3A_44 step %scan3A_45  : i32 {
        %get3A = arith.index_cast %scan3A_47 : i32 to index
        %get3A_48 = arith.constant 16 : index
        %get3A_49 = tpu.vector_load %arg9[%get3A, %get3A_48] {strides = array<i32>} : memref<128x32xf32, #tpu.memory_space<vmem>>, vector<1x16xf32>,
        %get3A_50 = vector.shape_cast %get3A_49 : vector<1x16xf32> to vector<16xf32>
        %get3A_51 = arith.index_cast %scan3A_47 : i32 to index
        %get3A_52 = arith.constant 0 : index
        %get3A_53 = tpu.vector_load %arg10[%get3A_51, %get3A_52] {strides = array<i32>} : memref<128x16xf32, #tpu.memory_space<vmem>>, vector<1x16xf32>,
        %get3A_54 = vector.shape_cast %get3A_53 : vector<1x16xf32> to vector<16xf32>
        %add3A_55 = arith.addf %get3A_50, %get3A_54 : vector<16xf32>
        %mul3A_56 = arith.constant 2.000000e-01 : f32
        %mul3A_57 = vector.broadcast %mul3A_56 : f32 to vector<16xf32>
        %mul3A_58 = arith.mulf %add3A_55, %mul3A_57 : vector<16xf32>
        %max3A = arith.maximumf %add3A_55, %mul3A_58 : vector<16xf32>
        %exp3A = math.exp %max3A : vector<16xf32>
        %swap3A = arith.index_cast %scan3A_47 : i32 to index
        %swap3A_59 = arith.constant 16 : index
        %swap3A_60 = tpu.vector_load %arg9[%swap3A, %swap3A_59] {strides = array<i32>} : memref<128x32xf32, #tpu.memory_space<vmem>>, vector<1x16xf32>,
        %swap3A_61 = vector.shape_cast %swap3A_60 : vector<1x16xf32> to vector<16xf32>
        %swap3A_62 = vector.shape_cast %exp3A : vector<16xf32> to vector<1x16xf32>
        tpu.vector_store %arg9[%swap3A, %swap3A_59], %swap3A_62 {strides = array<i32>} : memref<128x32xf32, #tpu.memory_space<vmem>>, vector<1x16xf32>,
        %get3A_63 = arith.index_cast %scan3A_47 : i32 to index
        %get3A_64 = arith.constant 0 : index
        %get3A_65 = tpu.vector_load %arg9[%get3A_63, %get3A_64] {strides = array<i32>} : memref<128x32xf32, #tpu.memory_space<vmem>>, vector<1x16xf32>,
        %get3A_66 = vector.shape_cast %get3A_65 : vector<1x16xf32> to vector<16xf32>
        %slice3A = vector.extract_strided_slice %exp3A {offsets = [0], sizes = [1], strides = [1]} : vector<16xf32> to vector<1xf32>
        %squeeze3A = vector.extract %slice3A[0] : f32 from vector<1xf32>
        %mul3A_67 = vector.broadcast %squeeze3A : f32 to vector<16xf32>
        %mul3A_68 = arith.mulf %get3A_66, %mul3A_67 : vector<16xf32>
        %swap3A_69 = arith.index_cast %scan3A_47 : i32 to index
        %swap3A_70 = arith.constant 0 : index
        %swap3A_71 = tpu.vector_load %arg9[%swap3A_69, %swap3A_70] {strides = array<i32>} : memref<128x32xf32, #tpu.memory_space<vmem>>, vector<1x16xf32>,
        %swap3A_72 = vector.shape_cast %swap3A_71 : vector<1x16xf32> to vector<16xf32>
        %swap3A_73 = vector.shape_cast %mul3A_68 : vector<16xf32> to vector<1x16xf32>
        tpu.vector_store %arg9[%swap3A_69, %swap3A_70], %swap3A_73 {strides = array<i32>} : memref<128x32xf32, #tpu.memory_space<vmem>>, vector<1x16xf32>,
      }
      %scan3A_46 = arith.constant 128 : i32
      "tpu.region"() ({
        %run_scoped3A = tpu.sem_alloc : memref<!tpu.dma_semaphore, #tpu.memory_space<semaphore_mem>>
        %dma_start3A_47 = arith.constant 0 : i32
        %dma_start3A_48 = arith.constant 0 : i32
        %dma_start3A_49 = tpu.memref_slice %arg11[%dma_start3A_47, %dma_start3A_48] : memref<10240x32xf32, #tpu.memory_space<vmem_shared>> -> memref<10240x32xf32, #tpu.memory_space<vmem_shared>>
        tpu.enqueue_indirect_dma source(%arg9 : memref<128x32xf32, #tpu.memory_space<vmem>>) target(%dma_start3A_49 : memref<10240x32xf32, #tpu.memory_space<vmem_shared>>) offsets(%arg8 : memref<128xi32, #tpu.memory_space<vmem>>) semaphore(%run_scoped3A : memref<!tpu.dma_semaphore, #tpu.memory_space<semaphore_mem>>) {add = true}
        %dma_wait3A_50 = arith.constant 0 : i32
        %dma_wait3A_51 = arith.constant 0 : i32
        %dma_wait3A_52 = tpu.memref_slice %arg11[%dma_wait3A_50, %dma_wait3A_51] : memref<10240x32xf32, #tpu.memory_space<vmem_shared>> -> memref<10240x32xf32, #tpu.memory_space<vmem_shared>>
        tpu.wait_indirect_dma semaphore(%run_scoped3A : memref<!tpu.dma_semaphore, #tpu.memory_space<semaphore_mem>>) src(%arg9 : memref<128x32xf32, #tpu.memory_space<vmem>>) dst(%dma_wait3A_52 : memref<10240x32xf32, #tpu.memory_space<vmem_shared>>)
        tpu.yield
      }) : () -> ()
    }
    %scan3A_25 = arith.constant 81 : i32
    %barrier3A_26 = arith.constant 0 : index
    tpu.barrier barrier_id(%barrier3A_26)
    "tpu.region"() ({
      %run_scoped3A = tpu.sem_alloc : memref<!tpu.dma_semaphore, #tpu.memory_space<semaphore_mem>>
      %dma_start3A = arith.constant 0 : i32
      %dma_start3A_27 = tpu.memref_slice %arg6[%arg0, %mul3A_2, %dma_start3A] : memref<2x10240x32xf32, #tpu.memory_space<hbm>> -> memref<1x640x32xf32, #tpu.memory_space<hbm>>
      %dma_start3A_28 = tpu.memref_squeeze %dma_start3A_27 : memref<1x640x32xf32, #tpu.memory_space<hbm>> -> memref<640x32xf32, #tpu.memory_space<hbm>>
      %dma_start3A_29 = arith.constant 0 : i32
      %dma_start3A_30 = tpu.memref_slice %arg11[%mul3A_2, %dma_start3A_29] : memref<10240x32xf32, #tpu.memory_space<vmem_shared>> -> memref<640x32xf32, #tpu.memory_space<vmem_shared>>
      tpu.enqueue_dma source(%dma_start3A_30 : memref<640x32xf32, #tpu.memory_space<vmem_shared>>) target(%dma_start3A_28 : memref<640x32xf32, #tpu.memory_space<hbm>>) target_semaphore(%run_scoped3A : memref<!tpu.dma_semaphore, #tpu.memory_space<semaphore_mem>>)
      %dma_wait3A = arith.constant 0 : i32
      %dma_wait3A_31 = tpu.memref_slice %arg6[%arg0, %mul3A_2, %dma_wait3A] : memref<2x10240x32xf32, #tpu.memory_space<hbm>> -> memref<1x640x32xf32, #tpu.memory_space<hbm>>
      %dma_wait3A_32 = tpu.memref_squeeze %dma_wait3A_31 : memref<1x640x32xf32, #tpu.memory_space<hbm>> -> memref<640x32xf32, #tpu.memory_space<hbm>>
      %dma_wait3A_33 = arith.constant 0 : i32
      %dma_wait3A_34 = tpu.memref_slice %arg11[%mul3A_2, %dma_wait3A_33] : memref<10240x32xf32, #tpu.memory_space<vmem_shared>> -> memref<640x32xf32, #tpu.memory_space<vmem_shared>>
      tpu.wait_dma2 semaphore(%run_scoped3A : memref<!tpu.dma_semaphore, #tpu.memory_space<semaphore_mem>>) src(%dma_wait3A_34 : memref<640x32xf32, #tpu.memory_space<vmem_shared>>) dst(%dma_wait3A_32 : memref<640x32xf32, #tpu.memory_space<hbm>>)
      tpu.yield
    }) : () -> ()
    return
  }
}

#map = affine_map<(d0, d1) -> (0, 0)>
#map1 = affine_map<(d0, d1) -> (0)>
#map2 = affine_map<(d0, d1) -> (0, 0, 0)>
module attributes {stable_mosaic.version = 14 : i64} {
  func.func @edge_pass(%arg0: i32, %arg1: i32, %arg2: memref<10240x144xf32, #tpu.memory_space<hbm>>, %arg3: memref<10240x16xf32, #tpu.memory_space<hbm>>, %arg4: memref<331776xi32, #tpu.memory_space<hbm>>, %arg5: memref<331776xi32, #tpu.memory_space<hbm>>, %arg6: memref<2x10240x144xf32, #tpu.memory_space<hbm>>, %arg7: memref<128xi32, #tpu.memory_space<vmem>>, %arg8: memref<128xi32, #tpu.memory_space<vmem>>, %arg9: memref<128x144xf32, #tpu.memory_space<vmem>>, %arg10: memref<128x16xf32, #tpu.memory_space<vmem>>, %arg11: memref<10240x144xf32, #tpu.memory_space<vmem_shared>>, %arg12: memref<!tpu.dma_semaphore, #tpu.memory_space<semaphore_mem>>, %arg13: memref<!tpu.dma_semaphore, #tpu.memory_space<semaphore_mem>>) attributes {dimension_semantics = [#tpu.dimension_semantics<core_parallel>, #tpu.dimension_semantics<subcore_parallel>], iteration_bounds = array<i64: 2, 16>, scalar_prefetch = 0 : i64, scratch_operands = 7 : i64, tpu.core_type = #tpu.core_type<sc_vector_subcore>, window_params = [{transform_indices = #map}, {transform_indices = #map}, {transform_indices = #map1}, {transform_indices = #map1}, {transform_indices = #map2}]} {
    %mul3A = arith.constant 16 : i32
    %mul3A_0 = arith.muli %arg0, %mul3A : i32
    %add3A = arith.addi %mul3A_0, %arg1 : i32
    %mul3A_1 = arith.constant 640 : i32
    %mul3A_2 = arith.muli %arg1, %mul3A_1 : i32
    %scan3A = arith.constant 0 : i32
    %scan3A_3 = arith.constant 0 : i32
    %scan3A_4 = arith.constant 128 : i32
    %scan3A_5 = arith.addi %scan3A_3, %scan3A_4 : i32
    %scan3A_6 = arith.constant 1 : i32
    scf.for %scan3A_27 = %scan3A_3 to %scan3A_5 step %scan3A_6  : i32 {
      %broadcast_in_dim3A = arith.constant 0.000000e+00 : f32
      %broadcast_in_dim3A_28 = vector.broadcast %broadcast_in_dim3A : f32 to vector<16xf32>
      %swap3A = arith.index_cast %scan3A_27 : i32 to index
      %swap3A_29 = arith.constant 0 : index
      %swap3A_30 = tpu.vector_load %arg9[%swap3A, %swap3A_29] {strides = array<i32>} : memref<128x144xf32, #tpu.memory_space<vmem>>, vector<1x16xf32>,
      %swap3A_31 = vector.shape_cast %swap3A_30 : vector<1x16xf32> to vector<16xf32>
      %swap3A_32 = vector.shape_cast %broadcast_in_dim3A_28 : vector<16xf32> to vector<1x16xf32>
      tpu.vector_store %arg9[%swap3A, %swap3A_29], %swap3A_32 {strides = array<i32>} : memref<128x144xf32, #tpu.memory_space<vmem>>, vector<1x16xf32>,
      %broadcast_in_dim3A_33 = arith.constant 0.000000e+00 : f32
      %broadcast_in_dim3A_34 = vector.broadcast %broadcast_in_dim3A_33 : f32 to vector<16xf32>
      %swap3A_35 = arith.index_cast %scan3A_27 : i32 to index
      %swap3A_36 = arith.constant 16 : index
      %swap3A_37 = tpu.vector_load %arg9[%swap3A_35, %swap3A_36] {strides = array<i32>} : memref<128x144xf32, #tpu.memory_space<vmem>>, vector<1x16xf32>,
      %swap3A_38 = vector.shape_cast %swap3A_37 : vector<1x16xf32> to vector<16xf32>
      %swap3A_39 = vector.shape_cast %broadcast_in_dim3A_34 : vector<16xf32> to vector<1x16xf32>
      tpu.vector_store %arg9[%swap3A_35, %swap3A_36], %swap3A_39 {strides = array<i32>} : memref<128x144xf32, #tpu.memory_space<vmem>>, vector<1x16xf32>,
      %broadcast_in_dim3A_40 = arith.constant 0.000000e+00 : f32
      %broadcast_in_dim3A_41 = vector.broadcast %broadcast_in_dim3A_40 : f32 to vector<16xf32>
      %swap3A_42 = arith.index_cast %scan3A_27 : i32 to index
      %swap3A_43 = arith.constant 32 : index
      %swap3A_44 = tpu.vector_load %arg9[%swap3A_42, %swap3A_43] {strides = array<i32>} : memref<128x144xf32, #tpu.memory_space<vmem>>, vector<1x16xf32>,
      %swap3A_45 = vector.shape_cast %swap3A_44 : vector<1x16xf32> to vector<16xf32>
      %swap3A_46 = vector.shape_cast %broadcast_in_dim3A_41 : vector<16xf32> to vector<1x16xf32>
      tpu.vector_store %arg9[%swap3A_42, %swap3A_43], %swap3A_46 {strides = array<i32>} : memref<128x144xf32, #tpu.memory_space<vmem>>, vector<1x16xf32>,
      %broadcast_in_dim3A_47 = arith.constant 0.000000e+00 : f32
      %broadcast_in_dim3A_48 = vector.broadcast %broadcast_in_dim3A_47 : f32 to vector<16xf32>
      %swap3A_49 = arith.index_cast %scan3A_27 : i32 to index
      %swap3A_50 = arith.constant 48 : index
      %swap3A_51 = tpu.vector_load %arg9[%swap3A_49, %swap3A_50] {strides = array<i32>} : memref<128x144xf32, #tpu.memory_space<vmem>>, vector<1x16xf32>,
      %swap3A_52 = vector.shape_cast %swap3A_51 : vector<1x16xf32> to vector<16xf32>
      %swap3A_53 = vector.shape_cast %broadcast_in_dim3A_48 : vector<16xf32> to vector<1x16xf32>
      tpu.vector_store %arg9[%swap3A_49, %swap3A_50], %swap3A_53 {strides = array<i32>} : memref<128x144xf32, #tpu.memory_space<vmem>>, vector<1x16xf32>,
      %broadcast_in_dim3A_54 = arith.constant 0.000000e+00 : f32
      %broadcast_in_dim3A_55 = vector.broadcast %broadcast_in_dim3A_54 : f32 to vector<16xf32>
      %swap3A_56 = arith.index_cast %scan3A_27 : i32 to index
      %swap3A_57 = arith.constant 64 : index
      %swap3A_58 = tpu.vector_load %arg9[%swap3A_56, %swap3A_57] {strides = array<i32>} : memref<128x144xf32, #tpu.memory_space<vmem>>, vector<1x16xf32>,
      %swap3A_59 = vector.shape_cast %swap3A_58 : vector<1x16xf32> to vector<16xf32>
      %swap3A_60 = vector.shape_cast %broadcast_in_dim3A_55 : vector<16xf32> to vector<1x16xf32>
      tpu.vector_store %arg9[%swap3A_56, %swap3A_57], %swap3A_60 {strides = array<i32>} : memref<128x144xf32, #tpu.memory_space<vmem>>, vector<1x16xf32>,
      %broadcast_in_dim3A_61 = arith.constant 0.000000e+00 : f32
      %broadcast_in_dim3A_62 = vector.broadcast %broadcast_in_dim3A_61 : f32 to vector<16xf32>
      %swap3A_63 = arith.index_cast %scan3A_27 : i32 to index
      %swap3A_64 = arith.constant 80 : index
      %swap3A_65 = tpu.vector_load %arg9[%swap3A_63, %swap3A_64] {strides = array<i32>} : memref<128x144xf32, #tpu.memory_space<vmem>>, vector<1x16xf32>,
      %swap3A_66 = vector.shape_cast %swap3A_65 : vector<1x16xf32> to vector<16xf32>
      %swap3A_67 = vector.shape_cast %broadcast_in_dim3A_62 : vector<16xf32> to vector<1x16xf32>
      tpu.vector_store %arg9[%swap3A_63, %swap3A_64], %swap3A_67 {strides = array<i32>} : memref<128x144xf32, #tpu.memory_space<vmem>>, vector<1x16xf32>,
      %broadcast_in_dim3A_68 = arith.constant 0.000000e+00 : f32
      %broadcast_in_dim3A_69 = vector.broadcast %broadcast_in_dim3A_68 : f32 to vector<16xf32>
      %swap3A_70 = arith.index_cast %scan3A_27 : i32 to index
      %swap3A_71 = arith.constant 96 : index
      %swap3A_72 = tpu.vector_load %arg9[%swap3A_70, %swap3A_71] {strides = array<i32>} : memref<128x144xf32, #tpu.memory_space<vmem>>, vector<1x16xf32>,
      %swap3A_73 = vector.shape_cast %swap3A_72 : vector<1x16xf32> to vector<16xf32>
      %swap3A_74 = vector.shape_cast %broadcast_in_dim3A_69 : vector<16xf32> to vector<1x16xf32>
      tpu.vector_store %arg9[%swap3A_70, %swap3A_71], %swap3A_74 {strides = array<i32>} : memref<128x144xf32, #tpu.memory_space<vmem>>, vector<1x16xf32>,
      %broadcast_in_dim3A_75 = arith.constant 0.000000e+00 : f32
      %broadcast_in_dim3A_76 = vector.broadcast %broadcast_in_dim3A_75 : f32 to vector<16xf32>
      %swap3A_77 = arith.index_cast %scan3A_27 : i32 to index
      %swap3A_78 = arith.constant 112 : index
      %swap3A_79 = tpu.vector_load %arg9[%swap3A_77, %swap3A_78] {strides = array<i32>} : memref<128x144xf32, #tpu.memory_space<vmem>>, vector<1x16xf32>,
      %swap3A_80 = vector.shape_cast %swap3A_79 : vector<1x16xf32> to vector<16xf32>
      %swap3A_81 = vector.shape_cast %broadcast_in_dim3A_76 : vector<16xf32> to vector<1x16xf32>
      tpu.vector_store %arg9[%swap3A_77, %swap3A_78], %swap3A_81 {strides = array<i32>} : memref<128x144xf32, #tpu.memory_space<vmem>>, vector<1x16xf32>,
      %broadcast_in_dim3A_82 = arith.constant 0.000000e+00 : f32
      %broadcast_in_dim3A_83 = vector.broadcast %broadcast_in_dim3A_82 : f32 to vector<16xf32>
      %swap3A_84 = arith.index_cast %scan3A_27 : i32 to index
      %swap3A_85 = arith.constant 128 : index
      %swap3A_86 = tpu.vector_load %arg9[%swap3A_84, %swap3A_85] {strides = array<i32>} : memref<128x144xf32, #tpu.memory_space<vmem>>, vector<1x16xf32>,
      %swap3A_87 = vector.shape_cast %swap3A_86 : vector<1x16xf32> to vector<16xf32>
      %swap3A_88 = vector.shape_cast %broadcast_in_dim3A_83 : vector<16xf32> to vector<1x16xf32>
      tpu.vector_store %arg9[%swap3A_84, %swap3A_85], %swap3A_88 {strides = array<i32>} : memref<128x144xf32, #tpu.memory_space<vmem>>, vector<1x16xf32>,
    }
    %scan3A_7 = arith.constant 128 : i32
    %add3A_8 = arith.constant 0 : i32
    %add3A_9 = arith.addi %mul3A_2, %add3A_8 : i32
    "tpu.region"() ({
      %run_scoped3A = tpu.sem_alloc : memref<!tpu.dma_semaphore, #tpu.memory_space<semaphore_mem>>
      %dma_start3A = arith.constant 0 : i32
      %dma_start3A_27 = tpu.memref_slice %arg11[%add3A_9, %dma_start3A] : memref<10240x144xf32, #tpu.memory_space<vmem_shared>> -> memref<128x144xf32, #tpu.memory_space<vmem_shared>>
      %dma_start3A_28 = arith.constant 0 : i32
      %dma_start3A_29 = tpu.memref_slice %arg11[%add3A_9, %dma_start3A_28] : memref<10240x144xf32, #tpu.memory_space<vmem_shared>> -> memref<128x144xf32, #tpu.memory_space<vmem_shared>>
      tpu.enqueue_dma source(%arg9 : memref<128x144xf32, #tpu.memory_space<vmem>>) target(%dma_start3A_29 : memref<128x144xf32, #tpu.memory_space<vmem_shared>>) target_semaphore(%run_scoped3A : memref<!tpu.dma_semaphore, #tpu.memory_space<semaphore_mem>>)
      %dma_wait3A = arith.constant 0 : i32
      %dma_wait3A_30 = tpu.memref_slice %arg11[%add3A_9, %dma_wait3A] : memref<10240x144xf32, #tpu.memory_space<vmem_shared>> -> memref<128x144xf32, #tpu.memory_space<vmem_shared>>
      %dma_wait3A_31 = arith.constant 0 : i32
      %dma_wait3A_32 = tpu.memref_slice %arg11[%add3A_9, %dma_wait3A_31] : memref<10240x144xf32, #tpu.memory_space<vmem_shared>> -> memref<128x144xf32, #tpu.memory_space<vmem_shared>>
      tpu.wait_dma2 semaphore(%run_scoped3A : memref<!tpu.dma_semaphore, #tpu.memory_space<semaphore_mem>>) src(%arg9 : memref<128x144xf32, #tpu.memory_space<vmem>>) dst(%dma_wait3A_32 : memref<128x144xf32, #tpu.memory_space<vmem_shared>>)
      tpu.yield
    }) : () -> ()
    %add3A_10 = arith.constant 128 : i32
    %add3A_11 = arith.addi %mul3A_2, %add3A_10 : i32
    "tpu.region"() ({
      %run_scoped3A = tpu.sem_alloc : memref<!tpu.dma_semaphore, #tpu.memory_space<semaphore_mem>>
      %dma_start3A = arith.constant 0 : i32
      %dma_start3A_27 = tpu.memref_slice %arg11[%add3A_11, %dma_start3A] : memref<10240x144xf32, #tpu.memory_space<vmem_shared>> -> memref<128x144xf32, #tpu.memory_space<vmem_shared>>
      %dma_start3A_28 = arith.constant 0 : i32
      %dma_start3A_29 = tpu.memref_slice %arg11[%add3A_11, %dma_start3A_28] : memref<10240x144xf32, #tpu.memory_space<vmem_shared>> -> memref<128x144xf32, #tpu.memory_space<vmem_shared>>
      tpu.enqueue_dma source(%arg9 : memref<128x144xf32, #tpu.memory_space<vmem>>) target(%dma_start3A_29 : memref<128x144xf32, #tpu.memory_space<vmem_shared>>) target_semaphore(%run_scoped3A : memref<!tpu.dma_semaphore, #tpu.memory_space<semaphore_mem>>)
      %dma_wait3A = arith.constant 0 : i32
      %dma_wait3A_30 = tpu.memref_slice %arg11[%add3A_11, %dma_wait3A] : memref<10240x144xf32, #tpu.memory_space<vmem_shared>> -> memref<128x144xf32, #tpu.memory_space<vmem_shared>>
      %dma_wait3A_31 = arith.constant 0 : i32
      %dma_wait3A_32 = tpu.memref_slice %arg11[%add3A_11, %dma_wait3A_31] : memref<10240x144xf32, #tpu.memory_space<vmem_shared>> -> memref<128x144xf32, #tpu.memory_space<vmem_shared>>
      tpu.wait_dma2 semaphore(%run_scoped3A : memref<!tpu.dma_semaphore, #tpu.memory_space<semaphore_mem>>) src(%arg9 : memref<128x144xf32, #tpu.memory_space<vmem>>) dst(%dma_wait3A_32 : memref<128x144xf32, #tpu.memory_space<vmem_shared>>)
      tpu.yield
    }) : () -> ()
    %add3A_12 = arith.constant 256 : i32
    %add3A_13 = arith.addi %mul3A_2, %add3A_12 : i32
    "tpu.region"() ({
      %run_scoped3A = tpu.sem_alloc : memref<!tpu.dma_semaphore, #tpu.memory_space<semaphore_mem>>
      %dma_start3A = arith.constant 0 : i32
      %dma_start3A_27 = tpu.memref_slice %arg11[%add3A_13, %dma_start3A] : memref<10240x144xf32, #tpu.memory_space<vmem_shared>> -> memref<128x144xf32, #tpu.memory_space<vmem_shared>>
      %dma_start3A_28 = arith.constant 0 : i32
      %dma_start3A_29 = tpu.memref_slice %arg11[%add3A_13, %dma_start3A_28] : memref<10240x144xf32, #tpu.memory_space<vmem_shared>> -> memref<128x144xf32, #tpu.memory_space<vmem_shared>>
      tpu.enqueue_dma source(%arg9 : memref<128x144xf32, #tpu.memory_space<vmem>>) target(%dma_start3A_29 : memref<128x144xf32, #tpu.memory_space<vmem_shared>>) target_semaphore(%run_scoped3A : memref<!tpu.dma_semaphore, #tpu.memory_space<semaphore_mem>>)
      %dma_wait3A = arith.constant 0 : i32
      %dma_wait3A_30 = tpu.memref_slice %arg11[%add3A_13, %dma_wait3A] : memref<10240x144xf32, #tpu.memory_space<vmem_shared>> -> memref<128x144xf32, #tpu.memory_space<vmem_shared>>
      %dma_wait3A_31 = arith.constant 0 : i32
      %dma_wait3A_32 = tpu.memref_slice %arg11[%add3A_13, %dma_wait3A_31] : memref<10240x144xf32, #tpu.memory_space<vmem_shared>> -> memref<128x144xf32, #tpu.memory_space<vmem_shared>>
      tpu.wait_dma2 semaphore(%run_scoped3A : memref<!tpu.dma_semaphore, #tpu.memory_space<semaphore_mem>>) src(%arg9 : memref<128x144xf32, #tpu.memory_space<vmem>>) dst(%dma_wait3A_32 : memref<128x144xf32, #tpu.memory_space<vmem_shared>>)
      tpu.yield
    }) : () -> ()
    %add3A_14 = arith.constant 384 : i32
    %add3A_15 = arith.addi %mul3A_2, %add3A_14 : i32
    "tpu.region"() ({
      %run_scoped3A = tpu.sem_alloc : memref<!tpu.dma_semaphore, #tpu.memory_space<semaphore_mem>>
      %dma_start3A = arith.constant 0 : i32
      %dma_start3A_27 = tpu.memref_slice %arg11[%add3A_15, %dma_start3A] : memref<10240x144xf32, #tpu.memory_space<vmem_shared>> -> memref<128x144xf32, #tpu.memory_space<vmem_shared>>
      %dma_start3A_28 = arith.constant 0 : i32
      %dma_start3A_29 = tpu.memref_slice %arg11[%add3A_15, %dma_start3A_28] : memref<10240x144xf32, #tpu.memory_space<vmem_shared>> -> memref<128x144xf32, #tpu.memory_space<vmem_shared>>
      tpu.enqueue_dma source(%arg9 : memref<128x144xf32, #tpu.memory_space<vmem>>) target(%dma_start3A_29 : memref<128x144xf32, #tpu.memory_space<vmem_shared>>) target_semaphore(%run_scoped3A : memref<!tpu.dma_semaphore, #tpu.memory_space<semaphore_mem>>)
      %dma_wait3A = arith.constant 0 : i32
      %dma_wait3A_30 = tpu.memref_slice %arg11[%add3A_15, %dma_wait3A] : memref<10240x144xf32, #tpu.memory_space<vmem_shared>> -> memref<128x144xf32, #tpu.memory_space<vmem_shared>>
      %dma_wait3A_31 = arith.constant 0 : i32
      %dma_wait3A_32 = tpu.memref_slice %arg11[%add3A_15, %dma_wait3A_31] : memref<10240x144xf32, #tpu.memory_space<vmem_shared>> -> memref<128x144xf32, #tpu.memory_space<vmem_shared>>
      tpu.wait_dma2 semaphore(%run_scoped3A : memref<!tpu.dma_semaphore, #tpu.memory_space<semaphore_mem>>) src(%arg9 : memref<128x144xf32, #tpu.memory_space<vmem>>) dst(%dma_wait3A_32 : memref<128x144xf32, #tpu.memory_space<vmem_shared>>)
      tpu.yield
    }) : () -> ()
    %add3A_16 = arith.constant 512 : i32
    %add3A_17 = arith.addi %mul3A_2, %add3A_16 : i32
    "tpu.region"() ({
      %run_scoped3A = tpu.sem_alloc : memref<!tpu.dma_semaphore, #tpu.memory_space<semaphore_mem>>
      %dma_start3A = arith.constant 0 : i32
      %dma_start3A_27 = tpu.memref_slice %arg11[%add3A_17, %dma_start3A] : memref<10240x144xf32, #tpu.memory_space<vmem_shared>> -> memref<128x144xf32, #tpu.memory_space<vmem_shared>>
      %dma_start3A_28 = arith.constant 0 : i32
      %dma_start3A_29 = tpu.memref_slice %arg11[%add3A_17, %dma_start3A_28] : memref<10240x144xf32, #tpu.memory_space<vmem_shared>> -> memref<128x144xf32, #tpu.memory_space<vmem_shared>>
      tpu.enqueue_dma source(%arg9 : memref<128x144xf32, #tpu.memory_space<vmem>>) target(%dma_start3A_29 : memref<128x144xf32, #tpu.memory_space<vmem_shared>>) target_semaphore(%run_scoped3A : memref<!tpu.dma_semaphore, #tpu.memory_space<semaphore_mem>>)
      %dma_wait3A = arith.constant 0 : i32
      %dma_wait3A_30 = tpu.memref_slice %arg11[%add3A_17, %dma_wait3A] : memref<10240x144xf32, #tpu.memory_space<vmem_shared>> -> memref<128x144xf32, #tpu.memory_space<vmem_shared>>
      %dma_wait3A_31 = arith.constant 0 : i32
      %dma_wait3A_32 = tpu.memref_slice %arg11[%add3A_17, %dma_wait3A_31] : memref<10240x144xf32, #tpu.memory_space<vmem_shared>> -> memref<128x144xf32, #tpu.memory_space<vmem_shared>>
      tpu.wait_dma2 semaphore(%run_scoped3A : memref<!tpu.dma_semaphore, #tpu.memory_space<semaphore_mem>>) src(%arg9 : memref<128x144xf32, #tpu.memory_space<vmem>>) dst(%dma_wait3A_32 : memref<128x144xf32, #tpu.memory_space<vmem_shared>>)
      tpu.yield
    }) : () -> ()
    %barrier3A = arith.constant 0 : index
    tpu.barrier barrier_id(%barrier3A)
    %mul3A_18 = arith.constant 10368 : i32
    %mul3A_19 = arith.muli %add3A, %mul3A_18 : i32
    %scan3A_20 = arith.constant 0 : i32
    %scan3A_21 = arith.constant 0 : i32
    %scan3A_22 = arith.constant 81 : i32
    %scan3A_23 = arith.addi %scan3A_21, %scan3A_22 : i32
    %scan3A_24 = arith.constant 1 : i32
    scf.for %scan3A_27 = %scan3A_21 to %scan3A_23 step %scan3A_24  : i32 {
      %mul3A_28 = arith.constant 128 : i32
      %mul3A_29 = arith.muli %scan3A_27, %mul3A_28 : i32
      %add3A_30 = arith.addi %mul3A_19, %mul3A_29 : i32
      "tpu.region"() ({
        %run_scoped3A = tpu.sem_alloc : memref<!tpu.dma_semaphore, #tpu.memory_space<semaphore_mem>>
        %dma_start3A_47 = tpu.memref_slice %arg4[%add3A_30] : memref<331776xi32, #tpu.memory_space<hbm>> -> memref<128xi32, #tpu.memory_space<hbm>>
        %dma_start3A_48 = tpu.memref_slice %arg4[%add3A_30] : memref<331776xi32, #tpu.memory_space<hbm>> -> memref<128xi32, #tpu.memory_space<hbm>>
        tpu.enqueue_dma source(%dma_start3A_48 : memref<128xi32, #tpu.memory_space<hbm>>) target(%arg7 : memref<128xi32, #tpu.memory_space<vmem>>) target_semaphore(%run_scoped3A : memref<!tpu.dma_semaphore, #tpu.memory_space<semaphore_mem>>)
        %dma_wait3A_49 = tpu.memref_slice %arg4[%add3A_30] : memref<331776xi32, #tpu.memory_space<hbm>> -> memref<128xi32, #tpu.memory_space<hbm>>
        %dma_wait3A_50 = tpu.memref_slice %arg4[%add3A_30] : memref<331776xi32, #tpu.memory_space<hbm>> -> memref<128xi32, #tpu.memory_space<hbm>>
        tpu.wait_dma2 semaphore(%run_scoped3A : memref<!tpu.dma_semaphore, #tpu.memory_space<semaphore_mem>>) src(%dma_wait3A_50 : memref<128xi32, #tpu.memory_space<hbm>>) dst(%arg7 : memref<128xi32, #tpu.memory_space<vmem>>)
        tpu.yield
      }) : () -> ()
      "tpu.region"() ({
        %run_scoped3A = tpu.sem_alloc : memref<!tpu.dma_semaphore, #tpu.memory_space<semaphore_mem>>
        %dma_start3A_47 = tpu.memref_slice %arg5[%add3A_30] : memref<331776xi32, #tpu.memory_space<hbm>> -> memref<128xi32, #tpu.memory_space<hbm>>
        %dma_start3A_48 = tpu.memref_slice %arg5[%add3A_30] : memref<331776xi32, #tpu.memory_space<hbm>> -> memref<128xi32, #tpu.memory_space<hbm>>
        tpu.enqueue_dma source(%dma_start3A_48 : memref<128xi32, #tpu.memory_space<hbm>>) target(%arg8 : memref<128xi32, #tpu.memory_space<vmem>>) target_semaphore(%run_scoped3A : memref<!tpu.dma_semaphore, #tpu.memory_space<semaphore_mem>>)
        %dma_wait3A_49 = tpu.memref_slice %arg5[%add3A_30] : memref<331776xi32, #tpu.memory_space<hbm>> -> memref<128xi32, #tpu.memory_space<hbm>>
        %dma_wait3A_50 = tpu.memref_slice %arg5[%add3A_30] : memref<331776xi32, #tpu.memory_space<hbm>> -> memref<128xi32, #tpu.memory_space<hbm>>
        tpu.wait_dma2 semaphore(%run_scoped3A : memref<!tpu.dma_semaphore, #tpu.memory_space<semaphore_mem>>) src(%dma_wait3A_50 : memref<128xi32, #tpu.memory_space<hbm>>) dst(%arg8 : memref<128xi32, #tpu.memory_space<vmem>>)
        tpu.yield
      }) : () -> ()
      %dma_start3A = arith.constant 0 : i32
      %dma_start3A_31 = arith.constant 0 : i32
      %dma_start3A_32 = tpu.memref_slice %arg2[%dma_start3A, %dma_start3A_31] : memref<10240x144xf32, #tpu.memory_space<hbm>> -> memref<10240x144xf32, #tpu.memory_space<hbm>>
      tpu.enqueue_indirect_dma source(%dma_start3A_32 : memref<10240x144xf32, #tpu.memory_space<hbm>>) target(%arg9 : memref<128x144xf32, #tpu.memory_space<vmem>>) offsets(%arg7 : memref<128xi32, #tpu.memory_space<vmem>>) semaphore(%arg12 : memref<!tpu.dma_semaphore, #tpu.memory_space<semaphore_mem>>)
      %dma_start3A_33 = arith.constant 0 : i32
      %dma_start3A_34 = arith.constant 0 : i32
      %dma_start3A_35 = tpu.memref_slice %arg3[%dma_start3A_33, %dma_start3A_34] : memref<10240x16xf32, #tpu.memory_space<hbm>> -> memref<10240x16xf32, #tpu.memory_space<hbm>>
      tpu.enqueue_indirect_dma source(%dma_start3A_35 : memref<10240x16xf32, #tpu.memory_space<hbm>>) target(%arg10 : memref<128x16xf32, #tpu.memory_space<vmem>>) offsets(%arg8 : memref<128xi32, #tpu.memory_space<vmem>>) semaphore(%arg13 : memref<!tpu.dma_semaphore, #tpu.memory_space<semaphore_mem>>)
      %dma_wait3A = arith.constant 0 : i32
      %dma_wait3A_36 = arith.constant 0 : i32
      %dma_wait3A_37 = tpu.memref_slice %arg2[%dma_wait3A, %dma_wait3A_36] : memref<10240x144xf32, #tpu.memory_space<hbm>> -> memref<10240x144xf32, #tpu.memory_space<hbm>>
      tpu.wait_indirect_dma semaphore(%arg12 : memref<!tpu.dma_semaphore, #tpu.memory_space<semaphore_mem>>) src(%dma_wait3A_37 : memref<10240x144xf32, #tpu.memory_space<hbm>>) dst(%arg9 : memref<128x144xf32, #tpu.memory_space<vmem>>)
      %dma_wait3A_38 = arith.constant 0 : i32
      %dma_wait3A_39 = arith.constant 0 : i32
      %dma_wait3A_40 = tpu.memref_slice %arg3[%dma_wait3A_38, %dma_wait3A_39] : memref<10240x16xf32, #tpu.memory_space<hbm>> -> memref<10240x16xf32, #tpu.memory_space<hbm>>
      tpu.wait_indirect_dma semaphore(%arg13 : memref<!tpu.dma_semaphore, #tpu.memory_space<semaphore_mem>>) src(%dma_wait3A_40 : memref<10240x16xf32, #tpu.memory_space<hbm>>) dst(%arg10 : memref<128x16xf32, #tpu.memory_space<vmem>>)
      %scan3A_41 = arith.constant 0 : i32
      %scan3A_42 = arith.constant 0 : i32
      %scan3A_43 = arith.constant 128 : i32
      %scan3A_44 = arith.addi %scan3A_42, %scan3A_43 : i32
      %scan3A_45 = arith.constant 1 : i32
      scf.for %scan3A_47 = %scan3A_42 to %scan3A_44 step %scan3A_45  : i32 {
        %get3A = arith.index_cast %scan3A_47 : i32 to index
        %get3A_48 = arith.constant 128 : index
        %get3A_49 = tpu.vector_load %arg9[%get3A, %get3A_48] {strides = array<i32>} : memref<128x144xf32, #tpu.memory_space<vmem>>, vector<1x16xf32>,
        %get3A_50 = vector.shape_cast %get3A_49 : vector<1x16xf32> to vector<16xf32>
        %get3A_51 = arith.index_cast %scan3A_47 : i32 to index
        %get3A_52 = arith.constant 0 : index
        %get3A_53 = tpu.vector_load %arg10[%get3A_51, %get3A_52] {strides = array<i32>} : memref<128x16xf32, #tpu.memory_space<vmem>>, vector<1x16xf32>,
        %get3A_54 = vector.shape_cast %get3A_53 : vector<1x16xf32> to vector<16xf32>
        %add3A_55 = arith.addf %get3A_50, %get3A_54 : vector<16xf32>
        %mul3A_56 = arith.constant 2.000000e-01 : f32
        %mul3A_57 = vector.broadcast %mul3A_56 : f32 to vector<16xf32>
        %mul3A_58 = arith.mulf %add3A_55, %mul3A_57 : vector<16xf32>
        %max3A = arith.maximumf %add3A_55, %mul3A_58 : vector<16xf32>
        %exp3A = math.exp %max3A : vector<16xf32>
        %swap3A = arith.index_cast %scan3A_47 : i32 to index
        %swap3A_59 = arith.constant 128 : index
        %swap3A_60 = tpu.vector_load %arg9[%swap3A, %swap3A_59] {strides = array<i32>} : memref<128x144xf32, #tpu.memory_space<vmem>>, vector<1x16xf32>,
        %swap3A_61 = vector.shape_cast %swap3A_60 : vector<1x16xf32> to vector<16xf32>
        %swap3A_62 = vector.shape_cast %exp3A : vector<16xf32> to vector<1x16xf32>
        tpu.vector_store %arg9[%swap3A, %swap3A_59], %swap3A_62 {strides = array<i32>} : memref<128x144xf32, #tpu.memory_space<vmem>>, vector<1x16xf32>,
        %get3A_63 = arith.index_cast %scan3A_47 : i32 to index
        %get3A_64 = arith.constant 0 : index
        %get3A_65 = tpu.vector_load %arg9[%get3A_63, %get3A_64] {strides = array<i32>} : memref<128x144xf32, #tpu.memory_space<vmem>>, vector<1x16xf32>,
        %get3A_66 = vector.shape_cast %get3A_65 : vector<1x16xf32> to vector<16xf32>
        %slice3A = vector.extract_strided_slice %exp3A {offsets = [0], sizes = [1], strides = [1]} : vector<16xf32> to vector<1xf32>
        %squeeze3A = vector.extract %slice3A[0] : f32 from vector<1xf32>
        %mul3A_67 = vector.broadcast %squeeze3A : f32 to vector<16xf32>
        %mul3A_68 = arith.mulf %get3A_66, %mul3A_67 : vector<16xf32>
        %swap3A_69 = arith.index_cast %scan3A_47 : i32 to index
        %swap3A_70 = arith.constant 0 : index
        %swap3A_71 = tpu.vector_load %arg9[%swap3A_69, %swap3A_70] {strides = array<i32>} : memref<128x144xf32, #tpu.memory_space<vmem>>, vector<1x16xf32>,
        %swap3A_72 = vector.shape_cast %swap3A_71 : vector<1x16xf32> to vector<16xf32>
        %swap3A_73 = vector.shape_cast %mul3A_68 : vector<16xf32> to vector<1x16xf32>
        tpu.vector_store %arg9[%swap3A_69, %swap3A_70], %swap3A_73 {strides = array<i32>} : memref<128x144xf32, #tpu.memory_space<vmem>>, vector<1x16xf32>,
        %get3A_74 = arith.index_cast %scan3A_47 : i32 to index
        %get3A_75 = arith.constant 16 : index
        %get3A_76 = tpu.vector_load %arg9[%get3A_74, %get3A_75] {strides = array<i32>} : memref<128x144xf32, #tpu.memory_space<vmem>>, vector<1x16xf32>,
        %get3A_77 = vector.shape_cast %get3A_76 : vector<1x16xf32> to vector<16xf32>
        %slice3A_78 = vector.extract_strided_slice %exp3A {offsets = [1], sizes = [1], strides = [1]} : vector<16xf32> to vector<1xf32>
        %squeeze3A_79 = vector.extract %slice3A_78[0] : f32 from vector<1xf32>
        %mul3A_80 = vector.broadcast %squeeze3A_79 : f32 to vector<16xf32>
        %mul3A_81 = arith.mulf %get3A_77, %mul3A_80 : vector<16xf32>
        %swap3A_82 = arith.index_cast %scan3A_47 : i32 to index
        %swap3A_83 = arith.constant 16 : index
        %swap3A_84 = tpu.vector_load %arg9[%swap3A_82, %swap3A_83] {strides = array<i32>} : memref<128x144xf32, #tpu.memory_space<vmem>>, vector<1x16xf32>,
        %swap3A_85 = vector.shape_cast %swap3A_84 : vector<1x16xf32> to vector<16xf32>
        %swap3A_86 = vector.shape_cast %mul3A_81 : vector<16xf32> to vector<1x16xf32>
        tpu.vector_store %arg9[%swap3A_82, %swap3A_83], %swap3A_86 {strides = array<i32>} : memref<128x144xf32, #tpu.memory_space<vmem>>, vector<1x16xf32>,
        %get3A_87 = arith.index_cast %scan3A_47 : i32 to index
        %get3A_88 = arith.constant 32 : index
        %get3A_89 = tpu.vector_load %arg9[%get3A_87, %get3A_88] {strides = array<i32>} : memref<128x144xf32, #tpu.memory_space<vmem>>, vector<1x16xf32>,
        %get3A_90 = vector.shape_cast %get3A_89 : vector<1x16xf32> to vector<16xf32>
        %slice3A_91 = vector.extract_strided_slice %exp3A {offsets = [2], sizes = [1], strides = [1]} : vector<16xf32> to vector<1xf32>
        %squeeze3A_92 = vector.extract %slice3A_91[0] : f32 from vector<1xf32>
        %mul3A_93 = vector.broadcast %squeeze3A_92 : f32 to vector<16xf32>
        %mul3A_94 = arith.mulf %get3A_90, %mul3A_93 : vector<16xf32>
        %swap3A_95 = arith.index_cast %scan3A_47 : i32 to index
        %swap3A_96 = arith.constant 32 : index
        %swap3A_97 = tpu.vector_load %arg9[%swap3A_95, %swap3A_96] {strides = array<i32>} : memref<128x144xf32, #tpu.memory_space<vmem>>, vector<1x16xf32>,
        %swap3A_98 = vector.shape_cast %swap3A_97 : vector<1x16xf32> to vector<16xf32>
        %swap3A_99 = vector.shape_cast %mul3A_94 : vector<16xf32> to vector<1x16xf32>
        tpu.vector_store %arg9[%swap3A_95, %swap3A_96], %swap3A_99 {strides = array<i32>} : memref<128x144xf32, #tpu.memory_space<vmem>>, vector<1x16xf32>,
        %get3A_100 = arith.index_cast %scan3A_47 : i32 to index
        %get3A_101 = arith.constant 48 : index
        %get3A_102 = tpu.vector_load %arg9[%get3A_100, %get3A_101] {strides = array<i32>} : memref<128x144xf32, #tpu.memory_space<vmem>>, vector<1x16xf32>,
        %get3A_103 = vector.shape_cast %get3A_102 : vector<1x16xf32> to vector<16xf32>
        %slice3A_104 = vector.extract_strided_slice %exp3A {offsets = [3], sizes = [1], strides = [1]} : vector<16xf32> to vector<1xf32>
        %squeeze3A_105 = vector.extract %slice3A_104[0] : f32 from vector<1xf32>
        %mul3A_106 = vector.broadcast %squeeze3A_105 : f32 to vector<16xf32>
        %mul3A_107 = arith.mulf %get3A_103, %mul3A_106 : vector<16xf32>
        %swap3A_108 = arith.index_cast %scan3A_47 : i32 to index
        %swap3A_109 = arith.constant 48 : index
        %swap3A_110 = tpu.vector_load %arg9[%swap3A_108, %swap3A_109] {strides = array<i32>} : memref<128x144xf32, #tpu.memory_space<vmem>>, vector<1x16xf32>,
        %swap3A_111 = vector.shape_cast %swap3A_110 : vector<1x16xf32> to vector<16xf32>
        %swap3A_112 = vector.shape_cast %mul3A_107 : vector<16xf32> to vector<1x16xf32>
        tpu.vector_store %arg9[%swap3A_108, %swap3A_109], %swap3A_112 {strides = array<i32>} : memref<128x144xf32, #tpu.memory_space<vmem>>, vector<1x16xf32>,
        %get3A_113 = arith.index_cast %scan3A_47 : i32 to index
        %get3A_114 = arith.constant 64 : index
        %get3A_115 = tpu.vector_load %arg9[%get3A_113, %get3A_114] {strides = array<i32>} : memref<128x144xf32, #tpu.memory_space<vmem>>, vector<1x16xf32>,
        %get3A_116 = vector.shape_cast %get3A_115 : vector<1x16xf32> to vector<16xf32>
        %slice3A_117 = vector.extract_strided_slice %exp3A {offsets = [4], sizes = [1], strides = [1]} : vector<16xf32> to vector<1xf32>
        %squeeze3A_118 = vector.extract %slice3A_117[0] : f32 from vector<1xf32>
        %mul3A_119 = vector.broadcast %squeeze3A_118 : f32 to vector<16xf32>
        %mul3A_120 = arith.mulf %get3A_116, %mul3A_119 : vector<16xf32>
        %swap3A_121 = arith.index_cast %scan3A_47 : i32 to index
        %swap3A_122 = arith.constant 64 : index
        %swap3A_123 = tpu.vector_load %arg9[%swap3A_121, %swap3A_122] {strides = array<i32>} : memref<128x144xf32, #tpu.memory_space<vmem>>, vector<1x16xf32>,
        %swap3A_124 = vector.shape_cast %swap3A_123 : vector<1x16xf32> to vector<16xf32>
        %swap3A_125 = vector.shape_cast %mul3A_120 : vector<16xf32> to vector<1x16xf32>
        tpu.vector_store %arg9[%swap3A_121, %swap3A_122], %swap3A_125 {strides = array<i32>} : memref<128x144xf32, #tpu.memory_space<vmem>>, vector<1x16xf32>,
        %get3A_126 = arith.index_cast %scan3A_47 : i32 to index
        %get3A_127 = arith.constant 80 : index
        %get3A_128 = tpu.vector_load %arg9[%get3A_126, %get3A_127] {strides = array<i32>} : memref<128x144xf32, #tpu.memory_space<vmem>>, vector<1x16xf32>,
        %get3A_129 = vector.shape_cast %get3A_128 : vector<1x16xf32> to vector<16xf32>
        %slice3A_130 = vector.extract_strided_slice %exp3A {offsets = [5], sizes = [1], strides = [1]} : vector<16xf32> to vector<1xf32>
        %squeeze3A_131 = vector.extract %slice3A_130[0] : f32 from vector<1xf32>
        %mul3A_132 = vector.broadcast %squeeze3A_131 : f32 to vector<16xf32>
        %mul3A_133 = arith.mulf %get3A_129, %mul3A_132 : vector<16xf32>
        %swap3A_134 = arith.index_cast %scan3A_47 : i32 to index
        %swap3A_135 = arith.constant 80 : index
        %swap3A_136 = tpu.vector_load %arg9[%swap3A_134, %swap3A_135] {strides = array<i32>} : memref<128x144xf32, #tpu.memory_space<vmem>>, vector<1x16xf32>,
        %swap3A_137 = vector.shape_cast %swap3A_136 : vector<1x16xf32> to vector<16xf32>
        %swap3A_138 = vector.shape_cast %mul3A_133 : vector<16xf32> to vector<1x16xf32>
        tpu.vector_store %arg9[%swap3A_134, %swap3A_135], %swap3A_138 {strides = array<i32>} : memref<128x144xf32, #tpu.memory_space<vmem>>, vector<1x16xf32>,
        %get3A_139 = arith.index_cast %scan3A_47 : i32 to index
        %get3A_140 = arith.constant 96 : index
        %get3A_141 = tpu.vector_load %arg9[%get3A_139, %get3A_140] {strides = array<i32>} : memref<128x144xf32, #tpu.memory_space<vmem>>, vector<1x16xf32>,
        %get3A_142 = vector.shape_cast %get3A_141 : vector<1x16xf32> to vector<16xf32>
        %slice3A_143 = vector.extract_strided_slice %exp3A {offsets = [6], sizes = [1], strides = [1]} : vector<16xf32> to vector<1xf32>
        %squeeze3A_144 = vector.extract %slice3A_143[0] : f32 from vector<1xf32>
        %mul3A_145 = vector.broadcast %squeeze3A_144 : f32 to vector<16xf32>
        %mul3A_146 = arith.mulf %get3A_142, %mul3A_145 : vector<16xf32>
        %swap3A_147 = arith.index_cast %scan3A_47 : i32 to index
        %swap3A_148 = arith.constant 96 : index
        %swap3A_149 = tpu.vector_load %arg9[%swap3A_147, %swap3A_148] {strides = array<i32>} : memref<128x144xf32, #tpu.memory_space<vmem>>, vector<1x16xf32>,
        %swap3A_150 = vector.shape_cast %swap3A_149 : vector<1x16xf32> to vector<16xf32>
        %swap3A_151 = vector.shape_cast %mul3A_146 : vector<16xf32> to vector<1x16xf32>
        tpu.vector_store %arg9[%swap3A_147, %swap3A_148], %swap3A_151 {strides = array<i32>} : memref<128x144xf32, #tpu.memory_space<vmem>>, vector<1x16xf32>,
        %get3A_152 = arith.index_cast %scan3A_47 : i32 to index
        %get3A_153 = arith.constant 112 : index
        %get3A_154 = tpu.vector_load %arg9[%get3A_152, %get3A_153] {strides = array<i32>} : memref<128x144xf32, #tpu.memory_space<vmem>>, vector<1x16xf32>,
        %get3A_155 = vector.shape_cast %get3A_154 : vector<1x16xf32> to vector<16xf32>
        %slice3A_156 = vector.extract_strided_slice %exp3A {offsets = [7], sizes = [1], strides = [1]} : vector<16xf32> to vector<1xf32>
        %squeeze3A_157 = vector.extract %slice3A_156[0] : f32 from vector<1xf32>
        %mul3A_158 = vector.broadcast %squeeze3A_157 : f32 to vector<16xf32>
        %mul3A_159 = arith.mulf %get3A_155, %mul3A_158 : vector<16xf32>
        %swap3A_160 = arith.index_cast %scan3A_47 : i32 to index
        %swap3A_161 = arith.constant 112 : index
        %swap3A_162 = tpu.vector_load %arg9[%swap3A_160, %swap3A_161] {strides = array<i32>} : memref<128x144xf32, #tpu.memory_space<vmem>>, vector<1x16xf32>,
        %swap3A_163 = vector.shape_cast %swap3A_162 : vector<1x16xf32> to vector<16xf32>
        %swap3A_164 = vector.shape_cast %mul3A_159 : vector<16xf32> to vector<1x16xf32>
        tpu.vector_store %arg9[%swap3A_160, %swap3A_161], %swap3A_164 {strides = array<i32>} : memref<128x144xf32, #tpu.memory_space<vmem>>, vector<1x16xf32>,
      }
      %scan3A_46 = arith.constant 128 : i32
      "tpu.region"() ({
        %run_scoped3A = tpu.sem_alloc : memref<!tpu.dma_semaphore, #tpu.memory_space<semaphore_mem>>
        %dma_start3A_47 = arith.constant 0 : i32
        %dma_start3A_48 = arith.constant 0 : i32
        %dma_start3A_49 = tpu.memref_slice %arg11[%dma_start3A_47, %dma_start3A_48] : memref<10240x144xf32, #tpu.memory_space<vmem_shared>> -> memref<10240x144xf32, #tpu.memory_space<vmem_shared>>
        tpu.enqueue_indirect_dma source(%arg9 : memref<128x144xf32, #tpu.memory_space<vmem>>) target(%dma_start3A_49 : memref<10240x144xf32, #tpu.memory_space<vmem_shared>>) offsets(%arg8 : memref<128xi32, #tpu.memory_space<vmem>>) semaphore(%run_scoped3A : memref<!tpu.dma_semaphore, #tpu.memory_space<semaphore_mem>>) {add = true}
        %dma_wait3A_50 = arith.constant 0 : i32
        %dma_wait3A_51 = arith.constant 0 : i32
        %dma_wait3A_52 = tpu.memref_slice %arg11[%dma_wait3A_50, %dma_wait3A_51] : memref<10240x144xf32, #tpu.memory_space<vmem_shared>> -> memref<10240x144xf32, #tpu.memory_space<vmem_shared>>
        tpu.wait_indirect_dma semaphore(%run_scoped3A : memref<!tpu.dma_semaphore, #tpu.memory_space<semaphore_mem>>) src(%arg9 : memref<128x144xf32, #tpu.memory_space<vmem>>) dst(%dma_wait3A_52 : memref<10240x144xf32, #tpu.memory_space<vmem_shared>>)
        tpu.yield
      }) : () -> ()
    }
    %scan3A_25 = arith.constant 81 : i32
    %barrier3A_26 = arith.constant 0 : index
    tpu.barrier barrier_id(%barrier3A_26)
    "tpu.region"() ({
      %run_scoped3A = tpu.sem_alloc : memref<!tpu.dma_semaphore, #tpu.memory_space<semaphore_mem>>
      %dma_start3A = arith.constant 0 : i32
      %dma_start3A_27 = tpu.memref_slice %arg6[%arg0, %mul3A_2, %dma_start3A] : memref<2x10240x144xf32, #tpu.memory_space<hbm>> -> memref<1x640x144xf32, #tpu.memory_space<hbm>>
      %dma_start3A_28 = tpu.memref_squeeze %dma_start3A_27 : memref<1x640x144xf32, #tpu.memory_space<hbm>> -> memref<640x144xf32, #tpu.memory_space<hbm>>
      %dma_start3A_29 = arith.constant 0 : i32
      %dma_start3A_30 = tpu.memref_slice %arg11[%mul3A_2, %dma_start3A_29] : memref<10240x144xf32, #tpu.memory_space<vmem_shared>> -> memref<640x144xf32, #tpu.memory_space<vmem_shared>>
      tpu.enqueue_dma source(%dma_start3A_30 : memref<640x144xf32, #tpu.memory_space<vmem_shared>>) target(%dma_start3A_28 : memref<640x144xf32, #tpu.memory_space<hbm>>) target_semaphore(%run_scoped3A : memref<!tpu.dma_semaphore, #tpu.memory_space<semaphore_mem>>)
      %dma_wait3A = arith.constant 0 : i32
      %dma_wait3A_31 = tpu.memref_slice %arg6[%arg0, %mul3A_2, %dma_wait3A] : memref<2x10240x144xf32, #tpu.memory_space<hbm>> -> memref<1x640x144xf32, #tpu.memory_space<hbm>>
      %dma_wait3A_32 = tpu.memref_squeeze %dma_wait3A_31 : memref<1x640x144xf32, #tpu.memory_space<hbm>> -> memref<640x144xf32, #tpu.memory_space<hbm>>
      %dma_wait3A_33 = arith.constant 0 : i32
      %dma_wait3A_34 = tpu.memref_slice %arg11[%mul3A_2, %dma_wait3A_33] : memref<10240x144xf32, #tpu.memory_space<vmem_shared>> -> memref<640x144xf32, #tpu.memory_space<vmem_shared>>
      tpu.wait_dma2 semaphore(%run_scoped3A : memref<!tpu.dma_semaphore, #tpu.memory_space<semaphore_mem>>) src(%dma_wait3A_34 : memref<640x144xf32, #tpu.memory_space<vmem_shared>>) dst(%dma_wait3A_32 : memref<640x144xf32, #tpu.memory_space<hbm>>)
      tpu.yield
    }) : () -> ()
    return
  }
}

module attributes {stable_mosaic.version = 14 : i64} {
  func.func @_mm2_body(%arg0: i32, %arg1: memref<1024x128xf32, #tpu.memory_space<vmem>>, %arg2: memref<128x144xf32, #tpu.memory_space<vmem>>, %arg3: memref<128x16xf32, #tpu.memory_space<vmem>>, %arg4: memref<1024x144xf32, #tpu.memory_space<vmem>>, %arg5: memref<1024x16xf32, #tpu.memory_space<vmem>>) attributes {dimension_semantics = [#tpu.dimension_semantics<arbitrary>], iteration_bounds = array<i64: 10>, scalar_prefetch = 0 : i64, scratch_operands = 0 : i64, tpu.core_type = #tpu.core_type<tc>, window_params = [{transform_indices = @transform_0, window_bounds = array<i64: 1024, 128>}, {pipeline_mode = #tpu.pipeline_mode<synchronous>, transform_indices = @transform_1, window_bounds = array<i64: 128, 144>}, {pipeline_mode = #tpu.pipeline_mode<synchronous>, transform_indices = @transform_2, window_bounds = array<i64: 128, 16>}, {transform_indices = @transform_3, window_bounds = array<i64: 1024, 144>}, {transform_indices = @transform_4, window_bounds = array<i64: 1024, 16>}]} {
    %get3A = arith.constant 0 : index
    %get3A_0 = arith.constant 0 : index
    %get3A_1 = vector.load %arg1[%get3A, %get3A_0] : memref<1024x128xf32, #tpu.memory_space<vmem>>, vector<1024x128xf32>
    %get3A_2 = arith.constant 0 : index
    %get3A_3 = arith.constant 0 : index
    %get3A_4 = vector.load %arg2[%get3A_2, %get3A_3] : memref<128x144xf32, #tpu.memory_space<vmem>>, vector<128x144xf32>
    %dot_general3A = arith.constant dense<0.000000e+00> : vector<1024x144xf32>
    %dot_general3A_5 = tpu.matmul %get3A_1, %get3A_4, %dot_general3A {dimension_numbers = #tpu.dot_dimension_numbers<[1], [0], [0], [1], [0, 0, 1, 1], [], []>, transpose_lhs_hint = false} : vector<1024x128xf32>, vector<128x144xf32>, vector<1024x144xf32> -> vector<1024x144xf32>
    %swap3A = arith.constant 0 : index
    %swap3A_6 = arith.constant 0 : index
    %swap3A_7 = vector.load %arg4[%swap3A, %swap3A_6] : memref<1024x144xf32, #tpu.memory_space<vmem>>, vector<1024x144xf32>
    tpu.vector_store %arg4[%swap3A, %swap3A_6], %dot_general3A_5 {strides = array<i32>} : memref<1024x144xf32, #tpu.memory_space<vmem>>, vector<1024x144xf32>,
    %get3A_8 = arith.constant 0 : index
    %get3A_9 = arith.constant 0 : index
    %get3A_10 = vector.load %arg3[%get3A_8, %get3A_9] : memref<128x16xf32, #tpu.memory_space<vmem>>, vector<128x16xf32>
    %dot_general3A_11 = arith.constant dense<0.000000e+00> : vector<1024x16xf32>
    %dot_general3A_12 = tpu.matmul %get3A_1, %get3A_10, %dot_general3A_11 {dimension_numbers = #tpu.dot_dimension_numbers<[1], [0], [0], [1], [0, 0, 1, 1], [], []>, transpose_lhs_hint = false} : vector<1024x128xf32>, vector<128x16xf32>, vector<1024x16xf32> -> vector<1024x16xf32>
    %swap3A_13 = arith.constant 0 : index
    %swap3A_14 = arith.constant 0 : index
    %swap3A_15 = vector.load %arg5[%swap3A_13, %swap3A_14] : memref<1024x16xf32, #tpu.memory_space<vmem>>, vector<1024x16xf32>
    tpu.vector_store %arg5[%swap3A_13, %swap3A_14], %dot_general3A_12 {strides = array<i32>} : memref<1024x16xf32, #tpu.memory_space<vmem>>, vector<1024x16xf32>,
    return
  }
  func.func @transform_0(%arg0: i32) -> (i32, i32) {
    %c0_i32 = arith.constant 0 : i32
    %c0_i32_0 = arith.constant 0 : i32
    return %arg0, %c0_i32 : i32, i32
  }
  func.func @transform_1(%arg0: i32) -> (i32, i32) {
    %c0_i32 = arith.constant 0 : i32
    %c0_i32_0 = arith.constant 0 : i32
    %c0_i32_1 = arith.constant 0 : i32
    return %c0_i32, %c0_i32_0 : i32, i32
  }
  func.func @transform_2(%arg0: i32) -> (i32, i32) {
    %c0_i32 = arith.constant 0 : i32
    %c0_i32_0 = arith.constant 0 : i32
    %c0_i32_1 = arith.constant 0 : i32
    return %c0_i32, %c0_i32_0 : i32, i32
  }
  func.func @transform_3(%arg0: i32) -> (i32, i32) {
    %c0_i32 = arith.constant 0 : i32
    %c0_i32_0 = arith.constant 0 : i32
    return %arg0, %c0_i32 : i32, i32
  }
  func.func @transform_4(%arg0: i32) -> (i32, i32) {
    %c0_i32 = arith.constant 0 : i32
    %c0_i32_0 = arith.constant 0 : i32
    return %arg0, %c0_i32 : i32, i32
  }
}

module attributes {stable_mosaic.version = 14 : i64} {
  func.func @_norm_mm2_body(%arg0: i32, %arg1: memref<2x1024x144xf32, #tpu.memory_space<vmem>>, %arg2: memref<8x128xf32, #tpu.memory_space<vmem>>, %arg3: memref<1x128xf32, #tpu.memory_space<vmem>>, %arg4: memref<128x32xf32, #tpu.memory_space<vmem>>, %arg5: memref<128x16xf32, #tpu.memory_space<vmem>>, %arg6: memref<1024x32xf32, #tpu.memory_space<vmem>>, %arg7: memref<1024x16xf32, #tpu.memory_space<vmem>>) attributes {dimension_semantics = [#tpu.dimension_semantics<arbitrary>], iteration_bounds = array<i64: 10>, scalar_prefetch = 0 : i64, scratch_operands = 0 : i64, tpu.core_type = #tpu.core_type<tc>, window_params = [{transform_indices = @transform_0, window_bounds = array<i64: 2, 1024, 144>}, {pipeline_mode = #tpu.pipeline_mode<synchronous>, transform_indices = @transform_1, window_bounds = array<i64: 8, 128>}, {pipeline_mode = #tpu.pipeline_mode<synchronous>, transform_indices = @transform_2, window_bounds = array<i64: 1, 128>}, {pipeline_mode = #tpu.pipeline_mode<synchronous>, transform_indices = @transform_3, window_bounds = array<i64: 128, 32>}, {pipeline_mode = #tpu.pipeline_mode<synchronous>, transform_indices = @transform_4, window_bounds = array<i64: 128, 16>}, {transform_indices = @transform_5, window_bounds = array<i64: 1024, 32>}, {transform_indices = @transform_6, window_bounds = array<i64: 1024, 16>}]} {
    %get3A = arith.constant 0 : index
    %get3A_0 = arith.constant 0 : index
    %get3A_1 = arith.constant 0 : index
    %get3A_2 = vector.load %arg1[%get3A, %get3A_0, %get3A_1] : memref<2x1024x144xf32, #tpu.memory_space<vmem>>, vector<1x1024x144xf32>
    %get3A_3 = vector.shape_cast %get3A_2 : vector<1x1024x144xf32> to vector<1024x144xf32>
    %get3A_4 = arith.constant 1 : index
    %get3A_5 = arith.constant 0 : index
    %get3A_6 = arith.constant 0 : index
    %get3A_7 = vector.load %arg1[%get3A_4, %get3A_5, %get3A_6] : memref<2x1024x144xf32, #tpu.memory_space<vmem>>, vector<1x1024x144xf32>
    %get3A_8 = vector.shape_cast %get3A_7 : vector<1x1024x144xf32> to vector<1024x144xf32>
    %add3A = arith.addf %get3A_3, %get3A_8 : vector<1024x144xf32>
    %slice3A = vector.extract_strided_slice %add3A {offsets = [0, 0], sizes = [1024, 128], strides = [1, 1]} : vector<1024x144xf32> to vector<1024x128xf32>
    %slice3A_9 = vector.extract_strided_slice %add3A {offsets = [0, 128], sizes = [1024, 8], strides = [1, 1]} : vector<1024x144xf32> to vector<1024x8xf32>
    %get3A_10 = arith.constant 0 : index
    %get3A_11 = arith.constant 0 : index
    %get3A_12 = vector.load %arg2[%get3A_10, %get3A_11] : memref<8x128xf32, #tpu.memory_space<vmem>>, vector<8x128xf32>
    %dot_general3A = arith.constant dense<0.000000e+00> : vector<1024x128xf32>
    %dot_general3A_13 = tpu.matmul %slice3A_9, %get3A_12, %dot_general3A {dimension_numbers = #tpu.dot_dimension_numbers<[1], [0], [0], [1], [0, 0, 1, 1], [], []>, transpose_lhs_hint = false} : vector<1024x8xf32>, vector<8x128xf32>, vector<1024x128xf32> -> vector<1024x128xf32>
    %add3A_14 = arith.constant 1.000000e-16 : f32
    %add3A_15 = vector.broadcast %add3A_14 : f32 to vector<1024x128xf32>
    %add3A_16 = arith.addf %dot_general3A_13, %add3A_15 : vector<1024x128xf32>
    %div3A = arith.divf %slice3A, %add3A_16 : vector<1024x128xf32>
    %get3A_17 = arith.constant 0 : index
    %get3A_18 = arith.constant 0 : index
    %get3A_19 = vector.load %arg3[%get3A_17, %get3A_18] : memref<1x128xf32, #tpu.memory_space<vmem>>, vector<1x128xf32>
    %add3A_20 = vector.broadcast %get3A_19 : vector<1x128xf32> to vector<1024x128xf32>
    %add3A_21 = arith.addf %div3A, %add3A_20 : vector<1024x128xf32>
    %max3A = arith.constant 0.000000e+00 : f32
    %max3A_22 = vector.broadcast %max3A : f32 to vector<1024x128xf32>
    %max3A_23 = arith.maximumf %add3A_21, %max3A_22 : vector<1024x128xf32>
    %get3A_24 = arith.constant 0 : index
    %get3A_25 = arith.constant 0 : index
    %get3A_26 = vector.load %arg4[%get3A_24, %get3A_25] : memref<128x32xf32, #tpu.memory_space<vmem>>, vector<128x32xf32>
    %dot_general3A_27 = arith.constant dense<0.000000e+00> : vector<1024x32xf32>
    %dot_general3A_28 = tpu.matmul %max3A_23, %get3A_26, %dot_general3A_27 {dimension_numbers = #tpu.dot_dimension_numbers<[1], [0], [0], [1], [0, 0, 1, 1], [], []>, transpose_lhs_hint = false} : vector<1024x128xf32>, vector<128x32xf32>, vector<1024x32xf32> -> vector<1024x32xf32>
    %swap3A = arith.constant 0 : index
    %swap3A_29 = arith.constant 0 : index
    %swap3A_30 = vector.load %arg6[%swap3A, %swap3A_29] : memref<1024x32xf32, #tpu.memory_space<vmem>>, vector<1024x32xf32>
    tpu.vector_store %arg6[%swap3A, %swap3A_29], %dot_general3A_28 {strides = array<i32>} : memref<1024x32xf32, #tpu.memory_space<vmem>>, vector<1024x32xf32>,
    %get3A_31 = arith.constant 0 : index
    %get3A_32 = arith.constant 0 : index
    %get3A_33 = vector.load %arg5[%get3A_31, %get3A_32] : memref<128x16xf32, #tpu.memory_space<vmem>>, vector<128x16xf32>
    %dot_general3A_34 = arith.constant dense<0.000000e+00> : vector<1024x16xf32>
    %dot_general3A_35 = tpu.matmul %max3A_23, %get3A_33, %dot_general3A_34 {dimension_numbers = #tpu.dot_dimension_numbers<[1], [0], [0], [1], [0, 0, 1, 1], [], []>, transpose_lhs_hint = false} : vector<1024x128xf32>, vector<128x16xf32>, vector<1024x16xf32> -> vector<1024x16xf32>
    %swap3A_36 = arith.constant 0 : index
    %swap3A_37 = arith.constant 0 : index
    %swap3A_38 = vector.load %arg7[%swap3A_36, %swap3A_37] : memref<1024x16xf32, #tpu.memory_space<vmem>>, vector<1024x16xf32>
    tpu.vector_store %arg7[%swap3A_36, %swap3A_37], %dot_general3A_35 {strides = array<i32>} : memref<1024x16xf32, #tpu.memory_space<vmem>>, vector<1024x16xf32>,
    return
  }
  func.func @transform_0(%arg0: i32) -> (i32, i32, i32) {
    %c0_i32 = arith.constant 0 : i32
    %c0_i32_0 = arith.constant 0 : i32
    %c0_i32_1 = arith.constant 0 : i32
    return %c0_i32, %arg0, %c0_i32_0 : i32, i32, i32
  }
  func.func @transform_1(%arg0: i32) -> (i32, i32) {
    %c0_i32 = arith.constant 0 : i32
    %c0_i32_0 = arith.constant 0 : i32
    %c0_i32_1 = arith.constant 0 : i32
    return %c0_i32, %c0_i32_0 : i32, i32
  }
  func.func @transform_2(%arg0: i32) -> (i32, i32) {
    %c0_i32 = arith.constant 0 : i32
    %c0_i32_0 = arith.constant 0 : i32
    %c0_i32_1 = arith.constant 0 : i32
    return %c0_i32, %c0_i32_0 : i32, i32
  }
  func.func @transform_3(%arg0: i32) -> (i32, i32) {
    %c0_i32 = arith.constant 0 : i32
    %c0_i32_0 = arith.constant 0 : i32
    %c0_i32_1 = arith.constant 0 : i32
    return %c0_i32, %c0_i32_0 : i32, i32
  }
  func.func @transform_4(%arg0: i32) -> (i32, i32) {
    %c0_i32 = arith.constant 0 : i32
    %c0_i32_0 = arith.constant 0 : i32
    %c0_i32_1 = arith.constant 0 : i32
    return %c0_i32, %c0_i32_0 : i32, i32
  }
  func.func @transform_5(%arg0: i32) -> (i32, i32) {
    %c0_i32 = arith.constant 0 : i32
    %c0_i32_0 = arith.constant 0 : i32
    return %arg0, %c0_i32 : i32, i32
  }
  func.func @transform_6(%arg0: i32) -> (i32, i32) {
    %c0_i32 = arith.constant 0 : i32
    %c0_i32_0 = arith.constant 0 : i32
    return %arg0, %c0_i32 : i32, i32
  }
}

module attributes {stable_mosaic.version = 14 : i64} {
  func.func @_pool_body(%arg0: i32, %arg1: memref<2x1024x32xf32, #tpu.memory_space<vmem>>, %arg2: memref<1x1x1024xi32, #tpu.memory_space<vmem>>, %arg3: memref<1x16xf32, #tpu.memory_space<vmem>>, %arg4: memref<64x16xf32, #tpu.memory_space<vmem>>, %arg5: memref<64x16xf32, #tpu.memory_space<vmem>>, %arg6: memref<64x1xf32, #tpu.memory_space<vmem>>) attributes {dimension_semantics = [#tpu.dimension_semantics<arbitrary>], iteration_bounds = array<i64: 10>, scalar_prefetch = 0 : i64, scratch_operands = 2 : i64, tpu.core_type = #tpu.core_type<tc>, window_params = [{transform_indices = @transform_0, window_bounds = array<i64: 2, 1024, 32>}, {transform_indices = @transform_1, window_bounds = array<i64: 1, 1, 1024>}, {pipeline_mode = #tpu.pipeline_mode<synchronous>, transform_indices = @transform_2, window_bounds = array<i64: 1, 16>}, {pipeline_mode = #tpu.pipeline_mode<synchronous>, transform_indices = @transform_3, window_bounds = array<i64: 64, 16>}]} {
    %get3A = arith.constant 0 : index
    %get3A_0 = arith.constant 0 : index
    %get3A_1 = arith.constant 0 : index
    %get3A_2 = vector.load %arg1[%get3A, %get3A_0, %get3A_1] : memref<2x1024x32xf32, #tpu.memory_space<vmem>>, vector<1x1024x32xf32>
    %get3A_3 = vector.shape_cast %get3A_2 : vector<1x1024x32xf32> to vector<1024x32xf32>
    %get3A_4 = arith.constant 1 : index
    %get3A_5 = arith.constant 0 : index
    %get3A_6 = arith.constant 0 : index
    %get3A_7 = vector.load %arg1[%get3A_4, %get3A_5, %get3A_6] : memref<2x1024x32xf32, #tpu.memory_space<vmem>>, vector<1x1024x32xf32>
    %get3A_8 = vector.shape_cast %get3A_7 : vector<1x1024x32xf32> to vector<1024x32xf32>
    %add3A = arith.addf %get3A_3, %get3A_8 : vector<1024x32xf32>
    %slice3A = vector.extract_strided_slice %add3A {offsets = [0, 0], sizes = [1024, 16], strides = [1, 1]} : vector<1024x32xf32> to vector<1024x16xf32>
    %slice3A_9 = vector.extract_strided_slice %add3A {offsets = [0, 16], sizes = [1024, 1], strides = [1, 1]} : vector<1024x32xf32> to vector<1024x1xf32>
    %add3A_10 = arith.constant 1.000000e-16 : f32
    %add3A_11 = vector.broadcast %add3A_10 : f32 to vector<1024x1xf32>
    %add3A_12 = arith.addf %slice3A_9, %add3A_11 : vector<1024x1xf32>
    %div3A = vector.broadcast %add3A_12 : vector<1024x1xf32> to vector<1024x16xf32>
    %div3A_13 = arith.divf %slice3A, %div3A : vector<1024x16xf32>
    %get3A_14 = arith.constant 0 : index
    %get3A_15 = arith.constant 0 : index
    %get3A_16 = vector.load %arg3[%get3A_14, %get3A_15] : memref<1x16xf32, #tpu.memory_space<vmem>>, vector<1x16xf32>
    %add3A_17 = vector.broadcast %get3A_16 : vector<1x16xf32> to vector<1024x16xf32>
    %add3A_18 = arith.addf %div3A_13, %add3A_17 : vector<1024x16xf32>
    %get3A_19 = arith.constant 0 : index
    %get3A_20 = arith.constant 0 : index
    %get3A_21 = arith.constant 0 : index
    %get3A_22 = vector.load %arg2[%get3A_19, %get3A_20, %get3A_21] : memref<1x1x1024xi32, #tpu.memory_space<vmem>>, vector<1x1x1024xi32>
    %get3A_23 = vector.shape_cast %get3A_22 : vector<1x1x1024xi32> to vector<1024xi32>
    %iota3A = tpu.iota {dimensions = array<i32: 1>} : vector<1024x64xi32>
    %broadcast_in_dim3A = vector.shape_cast %get3A_23 : vector<1024xi32> to vector<1024x1xi32>
    %eq3A = vector.broadcast %broadcast_in_dim3A : vector<1024x1xi32> to vector<1024x64xi32>
    %eq3A_24 = arith.cmpi eq, %eq3A, %iota3A : vector<1024x64xi32>
    %convert_element_type3A = arith.extui %eq3A_24 : vector<1024x64xi1> to vector<1024x64xi32>
    %convert_element_type3A_25 = arith.sitofp %convert_element_type3A : vector<1024x64xi32> to vector<1024x64xf32>
    %dot_general3A = arith.constant dense<0.000000e+00> : vector<64x16xf32>
    %dot_general3A_26 = tpu.matmul %convert_element_type3A_25, %add3A_18, %dot_general3A {dimension_numbers = #tpu.dot_dimension_numbers<[0], [0], [1], [1], [0, 1, 1, 1], [], []>, transpose_lhs_hint = false} : vector<1024x64xf32>, vector<1024x16xf32>, vector<64x16xf32> -> vector<64x16xf32>
    %broadcast_in_dim3A_27 = arith.constant 1.000000e+00 : f32
    %broadcast_in_dim3A_28 = vector.broadcast %broadcast_in_dim3A_27 : f32 to vector<1024x1xf32>
    %dot_general3A_29 = arith.constant dense<0.000000e+00> : vector<64x1xf32>
    %dot_general3A_30 = tpu.matmul %convert_element_type3A_25, %broadcast_in_dim3A_28, %dot_general3A_29 {dimension_numbers = #tpu.dot_dimension_numbers<[0], [0], [1], [1], [0, 1, 1, 1], [], []>, transpose_lhs_hint = false} : vector<1024x64xf32>, vector<1024x1xf32>, vector<64x1xf32> -> vector<64x1xf32>
    %eq3A_31 = arith.constant 0 : i32
    %eq3A_32 = arith.cmpi eq, %arg0, %eq3A_31 : i32
    %convert_element_type3A_33 = arith.extui %eq3A_32 : i1 to i32
    %cond3A = arith.constant 0 : i32
    %cond3A_34 = arith.cmpi ne, %convert_element_type3A_33, %cond3A : i32
    scf.if %cond3A_34 {
      %swap3A = arith.constant 0 : index
      %swap3A_44 = arith.constant 0 : index
      %swap3A_45 = vector.load %arg5[%swap3A, %swap3A_44] : memref<64x16xf32, #tpu.memory_space<vmem>>, vector<64x16xf32>
      tpu.vector_store %arg5[%swap3A, %swap3A_44], %dot_general3A_26 {strides = array<i32>} : memref<64x16xf32, #tpu.memory_space<vmem>>, vector<64x16xf32>,
      %swap3A_46 = arith.constant 0 : index
      %swap3A_47 = arith.constant 0 : index
      %swap3A_48 = vector.load %arg6[%swap3A_46, %swap3A_47] : memref<64x1xf32, #tpu.memory_space<vmem>>, vector<64x1xf32>
      tpu.vector_store %arg6[%swap3A_46, %swap3A_47], %dot_general3A_30 {strides = array<i32>} : memref<64x1xf32, #tpu.memory_space<vmem>>, vector<64x1xf32>,
    } else {
    }
    %gt3A = arith.constant 0 : i32
    %gt3A_35 = arith.cmpi sgt, %arg0, %gt3A : i32
    %convert_element_type3A_36 = arith.extui %gt3A_35 : i1 to i32
    %cond3A_37 = arith.constant 0 : i32
    %cond3A_38 = arith.cmpi ne, %convert_element_type3A_36, %cond3A_37 : i32
    scf.if %cond3A_38 {
      %get3A_44 = arith.constant 0 : index
      %get3A_45 = arith.constant 0 : index
      %get3A_46 = vector.load %arg5[%get3A_44, %get3A_45] : memref<64x16xf32, #tpu.memory_space<vmem>>, vector<64x16xf32>
      %add3A_47 = arith.addf %get3A_46, %dot_general3A_26 : vector<64x16xf32>
      %swap3A = arith.constant 0 : index
      %swap3A_48 = arith.constant 0 : index
      %swap3A_49 = vector.load %arg5[%swap3A, %swap3A_48] : memref<64x16xf32, #tpu.memory_space<vmem>>, vector<64x16xf32>
      tpu.vector_store %arg5[%swap3A, %swap3A_48], %add3A_47 {strides = array<i32>} : memref<64x16xf32, #tpu.memory_space<vmem>>, vector<64x16xf32>,
      %get3A_50 = arith.constant 0 : index
      %get3A_51 = arith.constant 0 : index
      %get3A_52 = vector.load %arg6[%get3A_50, %get3A_51] : memref<64x1xf32, #tpu.memory_space<vmem>>, vector<64x1xf32>
      %add3A_53 = arith.addf %get3A_52, %dot_general3A_30 : vector<64x1xf32>
      %swap3A_54 = arith.constant 0 : index
      %swap3A_55 = arith.constant 0 : index
      %swap3A_56 = vector.load %arg6[%swap3A_54, %swap3A_55] : memref<64x1xf32, #tpu.memory_space<vmem>>, vector<64x1xf32>
      tpu.vector_store %arg6[%swap3A_54, %swap3A_55], %add3A_53 {strides = array<i32>} : memref<64x1xf32, #tpu.memory_space<vmem>>, vector<64x1xf32>,
    } else {
    }
    %eq3A_39 = arith.constant 9 : i32
    %eq3A_40 = arith.cmpi eq, %arg0, %eq3A_39 : i32
    %convert_element_type3A_41 = arith.extui %eq3A_40 : i1 to i32
    %cond3A_42 = arith.constant 0 : i32
    %cond3A_43 = arith.cmpi ne, %convert_element_type3A_41, %cond3A_42 : i32
    scf.if %cond3A_43 {
      %get3A_44 = arith.constant 0 : index
      %get3A_45 = arith.constant 0 : index
      %get3A_46 = vector.load %arg5[%get3A_44, %get3A_45] : memref<64x16xf32, #tpu.memory_space<vmem>>, vector<64x16xf32>
      %get3A_47 = arith.constant 0 : index
      %get3A_48 = arith.constant 0 : index
      %get3A_49 = vector.load %arg6[%get3A_47, %get3A_48] : memref<64x1xf32, #tpu.memory_space<vmem>>, vector<64x1xf32>
      %max3A = arith.constant 1.000000e+00 : f32
      %max3A_50 = vector.broadcast %max3A : f32 to vector<64x1xf32>
      %max3A_51 = arith.maximumf %get3A_49, %max3A_50 : vector<64x1xf32>
      %div3A_52 = vector.broadcast %max3A_51 : vector<64x1xf32> to vector<64x16xf32>
      %div3A_53 = arith.divf %get3A_46, %div3A_52 : vector<64x16xf32>
      %swap3A = arith.constant 0 : index
      %swap3A_54 = arith.constant 0 : index
      %swap3A_55 = vector.load %arg4[%swap3A, %swap3A_54] : memref<64x16xf32, #tpu.memory_space<vmem>>, vector<64x16xf32>
      tpu.vector_store %arg4[%swap3A, %swap3A_54], %div3A_53 {strides = array<i32>} : memref<64x16xf32, #tpu.memory_space<vmem>>, vector<64x16xf32>,
    } else {
    }
    return
  }
  func.func @transform_0(%arg0: i32) -> (i32, i32, i32) {
    %c0_i32 = arith.constant 0 : i32
    %c0_i32_0 = arith.constant 0 : i32
    %c0_i32_1 = arith.constant 0 : i32
    return %c0_i32, %arg0, %c0_i32_0 : i32, i32, i32
  }
  func.func @transform_1(%arg0: i32) -> (i32, i32, i32) {
    %c0_i32 = arith.constant 0 : i32
    %c0_i32_0 = arith.constant 0 : i32
    %c0_i32_1 = arith.constant 0 : i32
    return %arg0, %c0_i32, %c0_i32_0 : i32, i32, i32
  }
  func.func @transform_2(%arg0: i32) -> (i32, i32) {
    %c0_i32 = arith.constant 0 : i32
    %c0_i32_0 = arith.constant 0 : i32
    %c0_i32_1 = arith.constant 0 : i32
    return %c0_i32, %c0_i32_0 : i32, i32
  }
  func.func @transform_3(%arg0: i32) -> (i32, i32) {
    %c0_i32 = arith.constant 0 : i32
    %c0_i32_0 = arith.constant 0 : i32
    %c0_i32_1 = arith.constant 0 : i32
    return %c0_i32, %c0_i32_0 : i32, i32
  }
}

</mosaic_0001>

<sc_bundles>
// kernel: kernel.10.cloned.1.call-start
scs
__scs_entry_jumppad:
0x0: {  	(pc) =	sbr.rel $0x88, $3  }
0x1: {  	(tag) =	ssettag $0x0;
	lr =	simm.s32 $0x1  }
0x2: {  	[smem:$0x3F96] =	sst lr;
	_ =	strace $0xD0000000  }
0x3: {  	_ = 	snop  }
0x4: {  	_ = 	snop  }
0x5: {  	_ = 	snop  }
0x6: {  	_ = 	snop  }
0x7: {  	_ = 	snop  }
__scs_overlays_trampoline_lowered:
0x8: {  	[smem:$0x3FA5] =	sst s0  }
0x9: {  	[smem:$0x3FA6] =	sst s1  }
0xa: {  	[smem:$0x3FA7] =	sst s2  }
0xb: {  	[smem:$0x3FA8] =	sst s3  }
0xc: {  	[smem:$0x3FA9] =	sst s4  }
0xd: {  	[smem:$0x3FAA] =	sst s5  }
0xe: {  	[smem:$0x3FAB] =	sst s6  }
0xf: {  	[smem:$0x3FAC] =	sst s7  }
0x10: {  	[smem:$0x3FAD] =	sst s8  }
0x11: {  	[smem:$0x3FAE] =	sst s9;
	s0 =	simm.s32 @!p0 $0x0  }
0x12: {  	s1 =	sld [smem:$0x3F94];
	s0 =	simm.s32 @p0 $0x1  }
0x13: {  	[smem:$0x3FAF] =	sst s0;
	s0 =	simm.s32 @!p1 $0x0  }
0x14: {  	s2 =	sld [smem:$0x3F93];
	s0 =	simm.s32 @p1 $0x1  }
0x15: {  	[smem:$0x3FB0] =	sst s0;
	s0 =	simm.s32 @!p2 $0x0  }
0x16: {  	s3 =	sld [smem:$0x3FDB];
	s0 =	simm.s32 @p2 $0x1  }
0x17: {  	s4 =	simm.s32 $0x1BF5;
	[smem:$0x3FB2] =	sst s0  }
0x18: {  	s0 =	sld [smem:$0x3F95];
	_ =	swait.ge [sflag:s4], $0x0  }
0x19: {  	s7 =	sld [smem:$0x3F96]  }
0x1a: {  	s8 =	sadd.s32 $0xFFFFE003, lr  }
0x1b: {  	s9 =	sadd.s32 $0xFFFFFEF7, lr;
	s5 =	simm.s32 $0xFFFFFFFF;
	p2 =	slt.u32 s8, $0xFFFFF086  }
0x1c: {  	p1 =	slt.u32 s9, $0xF7A;
	s5 =	simm.s32 @!p2 $0x0  }
0x1d: {  	s5 =	simm.s32 @p1 $0x1;
	p0 =	seq.s32 s7, s2  }
0x1e: {  	s7 =	smul.u32 @!p0 $0xF7A, s2;
	p2 =	seq.s32 @!p0 s5, $0x0  }
0x1f: {  	s9 =	smul.u32 $0xF7A, s1;
	s8 =	simm.s32 @!p0 $0x1BF5;
	p2 =	por !p2, p0  }
0x20: {  	[sflag:s8] =	ssyncset.s32 @!p0 $0xFFFFF086;
	s6 =	sadd.s32 @!p0 s3, s7;
	s7 =	simm.s32 @!p0 $0x108  }
0x21: {  	s3 =	sadd.s32 s3, s9;
	s6 =	sadd.s32 @!p0 $0x88, s6;
	s7 =	simm.s32 @p2 $0x1082  }
0x22: {  	[simem:s7], [sflag:s8] =	dma.local @!p0 [hbm:s6], $0xF7A  }
0x23: {  	s9 =	sor.u32 $0xD0000000, s2;
	s6 =	simm.s32 $0x108;
	_ =	swait.ge @!p0 [sflag:s8], $0x0  }
0x24: {  	s3 =	sadd.s32 $0x88, s3;
	s6 =	simm.s32 @!p1 $0x1082;
	[sflag:s4] =	ssyncset.s32 $0xFFFFF086  }
0x25: {  	[simem:s6], [sflag:s4] =	dma.local [hbm:s3], $0xF7A  }
0x26: {  	[smem:$0x3F96] =	sst s1;
	(tag) =	ssettag s2;
	_ =	strace s9  }
0x27: {  	s1 =	sld [smem:$0x3FA6]  }
0x28: {  	s2 =	sld [smem:$0x3FA7]  }
0x29: {  	s4 =	sld [smem:$0x3FA9]  }
0x2a: {  	p0 =	seq.s32 s5, $0x0;
	s5 =	sld [smem:$0x3FAA]  }
0x2b: {  	s6 =	sld [smem:$0x3FAB]  }
0x2c: {  	s7 =	sld [smem:$0x3FAC]  }
0x2d: {  	s3 =	simm.s32 $0x108;
	s8 =	sld [smem:$0x3FAD]  }
0x2e: {  	s3 =	simm.s32 @!p0 $0x1082;
	s9 =	sld [smem:$0x3FAE]  }
0x2f: {  	lr =	sadd.s32 s0, s3;
	s0 =	sld [smem:$0x3FA5]  }
0x30: {  	s3 =	sld [smem:$0x3FA8]  }
0x31: {  	[smem:$0x3FB1] =	sst s10  }
0x32: {  	s10 =	sld [smem:$0x3FAF];
	_ =	sdelay $0x3  }
0x33: {  	p0 =	seq.s32 s10, $0x1;
	s10 =	sld [smem:$0x3FB1];
	_ =	sdelay $0x3  }
0x34: {  	[smem:$0x3FB1] =	sst s10  }
0x35: {  	s10 =	sld [smem:$0x3FB0];
	_ =	sdelay $0x3  }
0x36: {  	p1 =	seq.s32 s10, $0x1;
	s10 =	sld [smem:$0x3FB1];
	_ =	sdelay $0x3  }
0x37: {  	[smem:$0x3FB1] =	sst s10  }
0x38: {  	s10 =	sld [smem:$0x3FB2]  }
0x39: {  	_ = 	snop;
	(pc) =	sbr.ind lr, $3  }
0x3a: {  	_ = 	snop  }
0x3b: {  	_ = 	snop  }
0x3c: {  	p2 =	seq.s32 s10, $0x1;
	s10 =	sld [smem:$0x3FB1]  }
0x3d: {  	_ =	shalt  }
0x3e: {  	_ =	shalt  }
0x3f: {  	_ =	shalt  }
0x40: {  	_ =	shalt  }
0x41: {  	_ =	shalt  }
0x42: {  	_ =	shalt  }
0x43: {  	_ =	shalt  }
0x44: {  	_ =	shalt  }
0x45: {  	_ =	shalt  }
0x46: {  	_ =	shalt  }
0x47: {  	_ =	shalt  }
0x48: {  	_ =	shalt  }
0x49: {  	_ =	shalt  }
0x4a: {  	_ =	shalt  }
0x4b: {  	_ =	shalt  }
0x4c: {  	_ =	shalt  }
0x4d: {  	_ =	shalt  }
0x4e: {  	_ =	shalt  }
0x4f: {  	_ =	shalt  }
0x50: {  	_ =	shalt  }
0x51: {  	_ =	shalt  }
0x52: {  	_ =	shalt  }
0x53: {  	_ =	shalt  }
0x54: {  	_ =	shalt  }
0x55: {  	_ =	shalt  }
0x56: {  	_ =	shalt  }
0x57: {  	_ =	shalt  }
0x58: {  	_ =	shalt  }
0x59: {  	_ =	shalt  }
0x5a: {  	_ =	shalt  }
0x5b: {  	_ =	shalt  }
0x5c: {  	_ =	shalt  }
0x5d: {  	_ =	shalt  }
0x5e: {  	_ =	shalt  }
0x5f: {  	_ =	shalt  }
0x60: {  	_ =	shalt  }
0x61: {  	_ =	shalt  }
0x62: {  	_ =	shalt  }
0x63: {  	_ =	shalt  }
0x64: {  	_ =	shalt  }
0x65: {  	_ =	shalt  }
0x66: {  	_ =	shalt  }
0x67: {  	_ =	shalt  }
0x68: {  	_ =	shalt  }
0x69: {  	_ =	shalt  }
0x6a: {  	_ =	shalt  }
0x6b: {  	_ =	shalt  }
0x6c: {  	_ =	shalt  }
0x6d: {  	_ =	shalt  }
0x6e: {  	_ =	shalt  }
0x6f: {  	_ =	shalt  }
0x70: {  	_ =	shalt  }
0x71: {  	_ =	shalt  }
0x72: {  	_ =	shalt  }
0x73: {  	_ =	shalt  }
0x74: {  	_ =	shalt  }
0x75: {  	_ =	shalt  }
0x76: {  	_ =	shalt  }
0x77: {  	_ =	shalt  }
0x78: {  	_ =	shalt  }
0x79: {  	_ =	shalt  }
0x7a: {  	_ =	shalt  }
0x7b: {  	_ =	shalt  }
0x7c: {  	_ =	shalt  }
0x7d: {  	_ =	shalt  }
0x7e: {  	_ =	shalt  }
0x7f: {  	_ =	shalt  }
0x80: {  	_ =	shalt  }
0x81: {  	_ =	shalt  }
0x82: {  	_ =	shalt  }
0x83: {  	_ =	shalt  }
0x84: {  	_ =	shalt  }
0x85: {  	_ =	shalt  }
0x86: {  	_ =	shalt  }
0x87: {  	_ =	shalt  }
.Lfunc_end0:
.L_simem_size_0:
called_computation.1_lowered:
.L_overlay_start_0:
0x88: {  	s2 =	sld [smem:$0x3FD9]  }
0x89: {  	s3 =	sld [smem:$0x3FFE];
	_ =	sdelay $0x1  }
0x8a: {  	s1 =	srdreg.scid  }
0x8b: {  	s0 =	sand.u32 $0x1, s1  }
0x8c: {  	s16 =	sshll.u32 s0, $0xA;
	s2 =	sadd.s32 s3, s2  }
0x8d: {  	s2 =	sadd.s32 s2, s16  }
0x8e: {  	[smem:$0x3FBD] =	sst s2  }
0x8f: {  	_ = 	snop  }
0x90: {  	(tm) =	ssettm $0x1  }
0x91: {  	s17 =	sld [smem:$0x3FFB];
	_ =	sdelay $0x3  }
0x92: {  	_ =	strace s17  }
0x93: {  	s2 =	sld [smem:$0x3FFC];
	_ =	sdelay $0x3  }
0x94: {  	_ =	strace s2  }
0x95: {  	s2 =	sld [smem:$0x3FFD];
	_ =	sdelay $0x3  }
0x96: {  	_ =	strace s2  }
0x97: {  	_ =	strace $0x8FFFFFFF  }
0x98: {  	s18 =	sld [smem:$0x3FDB];
	_ =	sdelay $0x1  }
0x99: {  	s19 =	simm.s32 $_scs_section_size  }
0x9a: {  	s4 =	simm.s32 $_size__tile_overlayer_lowered;
	s5 =	simm.s32 $_tile_overlayer_lowered  }
0x9b: {  	s22 =	simm.s32 $0x1BFF;
	s21 =	sshll.u32 s5, $0x1;
	s2 =	sadd.s32 s19, s18  }
0x9c: {  	s6 =	simm.s32 $0x0;
	s20 =	sshll.u32 s4, $0x1;
	s4 =	sadd.s32 s21, s2  }
0x9d: {  	[timem:s6], [sflag:s22] =	dma.local [hbm:s4], s20  }
0x9e: {  	_ =	swait.ge [sflag:s22], s20  }
0x9f: {  	s3 =	ssub.s32 $0x0, s20;
	[sflag:s22] =	ssyncset.done $0x0  }
0xa0: {  	[sflag:s22] =	ssyncadd.s32 s3;
	_ =	sdelay $0x1  }
0xa1: {  	s23 =	simm.s32 $0x1B8B  }
0xa2: {  	_ =	swait.ge [sflag:s23], $0x1  }
0xa3: {  	[sflag:s23] =	ssyncset.done $0x0  }
0xa4: {  	s25 =	simm.s32 $0x1B8E;
	s24 =	sld [smem:$0x3FFE];
	[sflag:s23] =	ssyncadd.s32 $0xFFFFFFFF  }
0xa5: {  	s26 =	simm.s32 $execute0_lowered;
	[smem:$0x3FD2] =	sst s25  }
0xa6: {  	s4 =	sshll.u32 s26, $0x1;
	_ =	strace $0x80000049;
	[dreg:$0x1] =	wrdreg $0xFFFFFFFF  }
0xa7: {  	s28 =	simm.s32 $_size_execute0_lowered;
	s2 =	sadd.s32 s2, s4;
	[dreg:$0x0] =	wrdreg $0x0  }
0xa8: {  	s4 =	sshll.u32 s28, $0x1;
	[dreg:$0x2] =	wrdreg s2  }
0xa9: {  	[dreg:$0x3] =	wrdreg s4  }
0xaa: {  	[dreg:$0x4] =	wrdreg $0xC0  }
0xab: {  	_ =	task [dreg:s6], $0x5FFFF  }
0xac: {  	[dreg:$0x1] =	wrdreg $0xFFFFFFFF  }
0xad: {  	[dreg:$0x0] =	wrdreg $0x60  }
0xae: {  	[dreg:$0x2] =	wrdreg s24  }
0xaf: {  	[dreg:$0x3] =	wrdreg $0x19000  }
0xb0: {  	[dreg:$0x4] =	wrdreg $0x9  }
0xb1: {  	_ =	task.clear_ibuf [dreg:s6], $0x5FFFF;
	_ =	strace $0x90000049  }
0xb2: {  	s29 =	simm.s32 $0x9;
	_ =	strace $0x8000004B  }
0xb3: {  	_ =	swait.ge [sflag:s29], $0x1  }
0xb4: {  	[sflag:s29] =	ssyncadd.s32 $0xFFFFFFFF  }
0xb5: {  	_ =	strace $0x9000004B  }
0xb6: {  	_ =	sfence  }
0xb7: {  	s30 =	sld [smem:$0x0];
	_ =	sdelay $0x2  }
0xb8: {  	s31 =	sshll.u32 s1, $0xD;
	s1 =	sshrl.u32 s1, $0x2  }
0xb9: {  	s3 =	sand.u32 $0x4000, s31;
	s1 =	sadd.s32 s1, s30  }
0xba: {  	s0 =	sor.u32 s3, s0;
	s1 =	sshll.u32 s1, $0x11  }
0xbb: {  	s0 =	sor.u32 s1, s0  }
0xbc: {  	s0 =	sadd.s32 $0x8F2B, s0  }
0xbd: {  	[sflag:s0] =	ssyncadd.remote.s32 $0x1  }
0xbe: {  	_ =	sfence.sel $0xFFFF  }
0xbf: {  	[dreg:$0x0] =	wrdreg $0xFFFFFFFF;
	(pc) =	sbr.abs _section_cstart, $3  }
0xc0: {  	[dreg:$0x1] =	wrdreg $0xFFFFFFFF  }
0xc1: {  	_ =	task.clear_ibuf [dreg:s6], $0x2FFFF;
	_ =	strace $0x9FFFFFFF  }
0xc2: {  	(tm) =	ssettm $0x7FFFFFFF  }
0xc3: {  	_ =	shalt  }
tec
execute0_lowered:
.L_overlay_start_1:
0x0: {  	(tag) =	ssettag $0x1  }
0x1: {  	s8 =	rddreg [dreg:$0x0]  }
0x2: {  	s2 =	rddreg [dreg:$0x1]  }
0x3: {  	s0 =	rddreg [dreg:$0x2];
	s4 =	srdreg.scid  }
0x4: {  	s1 =	stileid.u32;
	s3 =	simm.s32 $0x0;
	s16 =	simm.s32 $0x100  }
0x5: {  	s17 =	simm.s32 $0x3;
	s18 =	simm.s32 $0x80;
	s19 =	simm.s32 $0x1100  }
0x6: {  	s20 =	simm.s32 $0x1;
	s21 =	simm.s32 $0x2;
	s9 =	sand.u32 $0x1, s4  }
0x7: {  	s10 =	smul.u32 $0x5000, s1;
	[smem:$0x7FF] =	sst s3;
	s4 =	sadd.s32 $0x16000, s8  }
0x8: {  	s5 =	sadd.s32 $0x20000, s8;
	s6 =	sadd.s32 $0xBE00, s8;
	s12 =	smul.u32 $0x14000, s1  }
0x9: {  	s7 =	smul.u32 $0x50000, s9;
	_ =	strace $0x8000004A;
	s13 =	ssub.s32 $0x2, s9  }
0xa: {  	s30 =	sshll.u32 s9, $0x4;
	s28 =	sshrl.u32 s13, $0x1;
	s29 =	sshrl.u32 s12, $0x2  }
0xb: {  	s31 =	sor.u32 s1, s30;
	s11 =	sadd.s32 s10, s7;
	s7 =	sadd.s32 $0x1C00, s8  }
0xc: {  	s15 =	ssub.s32 s13, s28;
	s12 =	sadd.s32 s29, s2;
	s13 =	smul.u32 $0x2880, s31  }
0xd: {  	s11 =	sshrl.u32 s11, $0x3;
	s9 =	sadd.s32 $0x1000, s12;
	s15 =	smax.u32 s15, $0x1  }
0xe: {  	s14 =	sadd.s32 s11, s8;
	s8 =	sadd.s32 s10, s2;
	s10 =	sadd.s32 $0x2000, s12  }
0xf: {  	v0 =	vimm.f32 $0.0e+00;
	s11 =	sadd.s32 $0x3000, s12;
	s12 =	sadd.s32 $0x4000, s12;
	s14 =	sadd.s32 $0x25000, s14  }
.LBB2_1:
0x10: {  	s22 =	simm.s32 $0x80;
	s23 =	simm.s32 $0x0  }
.LBB2_2:
0x11: {  	p0 =	sne.s32 s22, $0x3F80;
	[tilespmem:s23+$0x100] =	vst v0;
	s24 =	smov.u32 s22;
	s22 =	sadd.s32 $0x80, s22  }
.Ltmp0:
0x12: {  	[tilespmem:s23+$0x110] =	vst v0;
	(pc) =	sbr.rel @p0 .LBB2_2-.Ltmp0, $2  }
0x13: {  	_ =	sdelay $0x2  }
0x14: {  	s23 =	sshra.s32 s24, $0x2  }
0x15: {  	[tilespmem:s23+$0x100] =	vst v0  }
0x16: {  	[tilespmem:s23+$0x110] =	vst v0  }
0x17: {  	[spmem:s8] =	stream.linear.scatter [tilespmem:s16], [sflag:$0x3], $0x1000, $0x38;
	[tilespmem:$0x6900] =	vst v63  }
0x18: {  	_ =	swait.ge [sflag:s17], $0x1000  }
0x19: {  	[sflag:s17] =	ssyncset.done $0x0  }
0x1a: {  	[sflag:s17] =	ssyncadd.s32 $0xFFFFF000  }
0x1b: {  	[spmem:s9] =	stream.linear.scatter [tilespmem:s16], [sflag:$0x3], $0x1000, $0x38;
	[tilespmem:$0x6900] =	vst v63  }
0x1c: {  	_ =	swait.ge [sflag:s17], $0x1000  }
0x1d: {  	[sflag:s17] =	ssyncset.done $0x0  }
0x1e: {  	[sflag:s17] =	ssyncadd.s32 $0xFFFFF000  }
0x1f: {  	[spmem:s10] =	stream.linear.scatter [tilespmem:s16], [sflag:$0x3], $0x1000, $0x38;
	[tilespmem:$0x6900] =	vst v63  }
0x20: {  	_ =	swait.ge [sflag:s17], $0x1000  }
0x21: {  	[sflag:s17] =	ssyncset.done $0x0  }
0x22: {  	[sflag:s17] =	ssyncadd.s32 $0xFFFFF000  }
0x23: {  	[spmem:s11] =	stream.linear.scatter [tilespmem:s16], [sflag:$0x3], $0x1000, $0x38;
	[tilespmem:$0x6900] =	vst v63  }
0x24: {  	_ =	swait.ge [sflag:s17], $0x1000  }
0x25: {  	[sflag:s17] =	ssyncset.done $0x0  }
0x26: {  	[sflag:s17] =	ssyncadd.s32 $0xFFFFF000  }
0x27: {  	[spmem:s12] =	stream.linear.scatter [tilespmem:s16], [sflag:$0x3], $0x1000, $0x38;
	[tilespmem:$0x6900] =	vst v63  }
0x28: {  	_ =	swait.ge [sflag:s17], $0x1000  }
0x29: {  	[sflag:s17] =	ssyncset.done $0x0  }
0x2a: {  	[sflag:s17] =	ssyncadd.s32 $0xFFFFF000  }
0x2b: {  	s22 =	simm.s32 $0x0;
	s23 =	simm.s32 $0x0;
	[bflag:$0x0] =	sbarrier.arrive $0xFFFF  }
.LBB2_4:
0x2c: {  	s24 =	sshll.u32 s23, $0x7  }
0x2d: {  	s24 =	sadd.s32 s13, s24  }
0x2e: {  	s24 =	sshrl.u32 s24, $0x3  }
0x2f: {  	s25 =	sadd.s32 s6, s24  }
0x30: {  	[tilespmem:s22], [sflag:$0x3] =	stream.linear.gather [hbm4b:s25+s22], $0x80, $0x38;
	[tilespmem:$0x6900] =	vst v63  }
0x31: {  	_ =	swait.ge [sflag:s17], $0x80  }
0x32: {  	[sflag:s17] =	ssyncset.done $0x0  }
0x33: {  	s24 =	sadd.s32 s7, s24;
	[sflag:s17] =	ssyncadd.s32 $0xFFFFFF80  }
0x34: {  	[tilespmem:s18], [sflag:$0x3] =	stream.linear.gather [hbm4b:s24+s22], $0x80, $0x38;
	[tilespmem:$0x6900] =	vst v63  }
0x35: {  	_ =	swait.ge [sflag:s17], $0x80  }
0x36: {  	[sflag:s17] =	ssyncset.done $0x0  }
0x37: {  	[sflag:s17] =	ssyncadd.s32 $0xFFFFFF80  }
0x38: {  	[tilespmem:s16], [sflag:$0x1] =	stream.indirect.gather [hbm4b:s4+s18], $0x20, s22, s18, $0xb8;
	[tilespmem:$0x6900] =	vst v63  }
0x39: {  	_ = 	snop  }
0x3a: {  	[tilespmem:s19], [sflag:$0x2] =	stream.indirect.gather [hbm4b:s5+s18], $0x10, s18, s18, $0xb8;
	[tilespmem:$0x6900] =	vst v63  }
0x3b: {  	_ =	swait.ge [sflag:s20], $0x1000  }
0x3c: {  	[sflag:s20] =	ssyncset.done $0x0  }
0x3d: {  	[sflag:s20] =	ssyncadd.s32 $0xFFFFF000  }
0x3e: {  	_ =	swait.ge [sflag:s21], $0x800  }
0x3f: {  	[sflag:s21] =	ssyncset.done $0x0  }
0x40: {  	s24 =	simm.s32 $0x110;
	[sflag:s21] =	ssyncadd.s32 $0xFFFFF800  }
0x41: {  	s28 =	simm.s32 $0x0;
	s26 =	simm.s32 $0x40;
	s25 =	simm.s32 $0x110;
	v1 =	vld [tilespmem:s24+$0x0]  }
.LBB2_5:
0x42: {  	p0 =	sne.s32 s26, $0x1FC0;
	v2 =	vld [tilespmem:s28+$0x1100];
	_ =	sdelay $0x4  }
0x43: {  	v1 =	vadd.f32 v2, v1;
	_ =	sdelay $0x1  }
0x44: {  	v2 =	vmul.f32 $2.000000030e-01, v1;
	_ =	sdelay $0x1  }
0x45: {  	v1 =	vmax.f32 v1, v2  }
0x46: {  	v1 =	vmul.f32 $1.442695020e+00, v1;
	_ =	sdelay $0x1  }
0x47: {  	(erf) = vpow2.f32 v1;
	_ =	sdelay $0x6  }
0x48: {  	v1 =	vld [tilespmem:s24+$0xFFFFFFF0];
	_ =	sdelay $0x1  }
0x49: {  	v2 =	vpop (erf)  }
.Ltmp1:
0x4a: {  	[tilespmem:s24+$0x0] =	vst v2;
	v2 =	vbroadcast v2, $0x0;
	(pc) =	sbr.rel @p0 .LBB2_5-.Ltmp1, $4  }
0x4b: {  	_ = 	snop  }
0x4c: {  	v2 =	vmul.f32 v2, v1  }
0x4d: {  	s24 =	sadd.s32 $0x20, s24  }
0x4e: {  	s28 =	sshra.s32 s26, $0x2;
	s26 =	sadd.s32 $0x40, s26;
	v1 =	vld [tilespmem:s24+$0x0];
	[tilespmem:s25+$0xFFFFFFF0] =	vst v2;
	s25 =	smov.u32 s24  }
0x4f: {  	v2 =	vld [tilespmem:s28+$0x1100];
	_ =	sdelay $0x4  }
0x50: {  	v1 =	vadd.f32 v2, v1;
	_ =	sdelay $0x1  }
0x51: {  	v2 =	vmul.f32 $2.000000030e-01, v1;
	_ =	sdelay $0x1  }
0x52: {  	v1 =	vmax.f32 v1, v2  }
0x53: {  	v1 =	vmul.f32 $1.442695020e+00, v1;
	_ =	sdelay $0x1  }
0x54: {  	(erf) = vpow2.f32 v1;
	_ =	sdelay $0x6  }
0x55: {  	v1 =	vld [tilespmem:s24+$0xFFFFFFF0];
	_ =	sdelay $0x1  }
0x56: {  	v2 =	vpop (erf)  }
0x57: {  	v3 =	vbroadcast v2, $0x0;
	_ =	sdelay $0x1  }
0x58: {  	s23 =	sadd.s32 $0x1, s23;
	v1 =	vmul.f32 v3, v1  }
0x59: {  	p0 =	sne.s32 s23, $0x51;
	[tilespmem:s24+$0x0] =	vst v2  }
.Ltmp2:
0x5a: {  	[tilespmem:s25+$0xFFFFFFF0] =	vst v1;
	(pc) =	sbr.rel @p0 .LBB2_4-.Ltmp2, $4  }
0x5b: {  	[spmem:s2] =	stream.indirect.scatter.add.f32 [tilespmem:s16], [sflag:$0x3], $0x20, s18, s18, $0xb8;
	[tilespmem:$0x6900] =	vst v63  }
0x5c: {  	_ =	swait.ge [sflag:s17], $0x1000  }
0x5d: {  	[sflag:s17] =	ssyncset.done $0x0  }
0x5e: {  	[sflag:s17] =	ssyncadd.s32 $0xFFFFF000  }
0x5f: {  	s3 =	sadd.s32 $0x1, s3  }
0x60: {  	s22 =	sshll.u32 s1, $0x6;
	[bflag:$0x0] =	sbarrier.arrive $0xFFFF;
	p0 =	sne.s32 s3, s15  }
.Ltmp3:
0x61: {  	s23 =	sshrl.u32 s8, $0x3;
	s22 =	sor.u32 $0x1C03, s22;
	(pc) =	sbr.rel @p0 .LBB2_1-.Ltmp3, $4  }
0x62: {  	[hbm:s14], [sflag:s22] =	dma.local [spmem:s23], $0xA00  }
0x63: {  	_ =	swait.ge [sflag:s17], $0xA00  }
0x64: {  	[sflag:s17] =	ssyncset.done $0x0  }
0x65: {  	[sflag:s17] =	ssyncadd.s32 $0xFFFFF600  }
0x66: {  	_ =	sfence.sel $0x180000  }
0x67: {  	[bflag:$0x0] =	sbarrier.arrive $0xFFFF  }
0x68: {  	p0 =	sne.s32 s1, $0x0;
	_ =	strace $0x9000004A  }
0x69: {  	s0 =	sadd.s32 @!p0 $0x100000, s0;
	[bflag:$0x2] =	sbarrier.arrive $0xFFFF  }
0x6a: {  	[sflag:s0] =	ssyncadd.tile.s32 @!p0 $0x1;
	_ =	shalt  }
.Lfunc_end2:
_tile_overlayer_lowered:
.L_overlay_start_2:
0x6b: {  	(tag) =	ssettag $0x2  }
0x6c: {  	s0 =	rddreg [dreg:$0x0];
	s2 =	stileid.u32  }
0x6d: {  	s1 =	rddreg [dreg:$0x1];
	p0 =	sne.s32 s2, $0x0  }
0x6e: {  	s3 =	rddreg [dreg:$0x2];
	[bflag:$0x3] =	sbarrier.arrive $0xFFFF;
	s2 =	simm.s32 @!p0 $0x1C03  }
0x6f: {  	[timem:s3], [sflag:s2] =	dma.local @!p0 [hbm:s0], s1  }
0x70: {  	s0 =	simm.s32 @!p0 $0x3  }
0x71: {  	_ =	swait.ge @!p0 [sflag:s0], s1  }
0x72: {  	s1 =	ssub.s32 @!p0 $0x0, s1;
	[sflag:s0] =	ssyncset.done @!p0 $0x0  }
0x73: {  	[sflag:s0] =	ssyncadd.s32 @!p0 s1  }
0x74: {  	[bflag:$0x3] =	sbarrier.arrive $0xFFFF  }
0x75: {  	_ =	shalt  }

// kernel: kernel.7.cloned.1.call-start
scs
__scs_entry_jumppad:
0x0: {  	(pc) =	sbr.rel $0x88, $3  }
0x1: {  	(tag) =	ssettag $0x0;
	lr =	simm.s32 $0x1  }
0x2: {  	[smem:$0x3F96] =	sst lr;
	_ =	strace $0xD0000000  }
0x3: {  	_ = 	snop  }
0x4: {  	_ = 	snop  }
0x5: {  	_ = 	snop  }
0x6: {  	_ = 	snop  }
0x7: {  	_ = 	snop  }
__scs_overlays_trampoline_lowered:
0x8: {  	[smem:$0x3FA5] =	sst s0  }
0x9: {  	[smem:$0x3FA6] =	sst s1  }
0xa: {  	[smem:$0x3FA7] =	sst s2  }
0xb: {  	[smem:$0x3FA8] =	sst s3  }
0xc: {  	[smem:$0x3FA9] =	sst s4  }
0xd: {  	[smem:$0x3FAA] =	sst s5  }
0xe: {  	[smem:$0x3FAB] =	sst s6  }
0xf: {  	[smem:$0x3FAC] =	sst s7  }
0x10: {  	[smem:$0x3FAD] =	sst s8  }
0x11: {  	[smem:$0x3FAE] =	sst s9;
	s0 =	simm.s32 @!p0 $0x0  }
0x12: {  	s1 =	sld [smem:$0x3F94];
	s0 =	simm.s32 @p0 $0x1  }
0x13: {  	[smem:$0x3FAF] =	sst s0;
	s0 =	simm.s32 @!p1 $0x0  }
0x14: {  	s2 =	sld [smem:$0x3F93];
	s0 =	simm.s32 @p1 $0x1  }
0x15: {  	[smem:$0x3FB0] =	sst s0;
	s0 =	simm.s32 @!p2 $0x0  }
0x16: {  	s3 =	sld [smem:$0x3FDB];
	s0 =	simm.s32 @p2 $0x1  }
0x17: {  	s4 =	simm.s32 $0x1BF5;
	[smem:$0x3FB2] =	sst s0  }
0x18: {  	s0 =	sld [smem:$0x3F95];
	_ =	swait.ge [sflag:s4], $0x0  }
0x19: {  	s7 =	sld [smem:$0x3F96]  }
0x1a: {  	s8 =	sadd.s32 $0xFFFFE003, lr  }
0x1b: {  	s9 =	sadd.s32 $0xFFFFFEF7, lr;
	s5 =	simm.s32 $0xFFFFFFFF;
	p2 =	slt.u32 s8, $0xFFFFF086  }
0x1c: {  	p1 =	slt.u32 s9, $0xF7A;
	s5 =	simm.s32 @!p2 $0x0  }
0x1d: {  	s5 =	simm.s32 @p1 $0x1;
	p0 =	seq.s32 s7, s2  }
0x1e: {  	s7 =	smul.u32 @!p0 $0xF7A, s2;
	p2 =	seq.s32 @!p0 s5, $0x0  }
0x1f: {  	s9 =	smul.u32 $0xF7A, s1;
	s8 =	simm.s32 @!p0 $0x1BF5;
	p2 =	por !p2, p0  }
0x20: {  	[sflag:s8] =	ssyncset.s32 @!p0 $0xFFFFF086;
	s6 =	sadd.s32 @!p0 s3, s7;
	s7 =	simm.s32 @!p0 $0x108  }
0x21: {  	s3 =	sadd.s32 s3, s9;
	s6 =	sadd.s32 @!p0 $0x88, s6;
	s7 =	simm.s32 @p2 $0x1082  }
0x22: {  	[simem:s7], [sflag:s8] =	dma.local @!p0 [hbm:s6], $0xF7A  }
0x23: {  	s9 =	sor.u32 $0xD0000000, s2;
	s6 =	simm.s32 $0x108;
	_ =	swait.ge @!p0 [sflag:s8], $0x0  }
0x24: {  	s3 =	sadd.s32 $0x88, s3;
	s6 =	simm.s32 @!p1 $0x1082;
	[sflag:s4] =	ssyncset.s32 $0xFFFFF086  }
0x25: {  	[simem:s6], [sflag:s4] =	dma.local [hbm:s3], $0xF7A  }
0x26: {  	[smem:$0x3F96] =	sst s1;
	(tag) =	ssettag s2;
	_ =	strace s9  }
0x27: {  	s1 =	sld [smem:$0x3FA6]  }
0x28: {  	s2 =	sld [smem:$0x3FA7]  }
0x29: {  	s4 =	sld [smem:$0x3FA9]  }
0x2a: {  	p0 =	seq.s32 s5, $0x0;
	s5 =	sld [smem:$0x3FAA]  }
0x2b: {  	s6 =	sld [smem:$0x3FAB]  }
0x2c: {  	s7 =	sld [smem:$0x3FAC]  }
0x2d: {  	s3 =	simm.s32 $0x108;
	s8 =	sld [smem:$0x3FAD]  }
0x2e: {  	s3 =	simm.s32 @!p0 $0x1082;
	s9 =	sld [smem:$0x3FAE]  }
0x2f: {  	lr =	sadd.s32 s0, s3;
	s0 =	sld [smem:$0x3FA5]  }
0x30: {  	s3 =	sld [smem:$0x3FA8]  }
0x31: {  	[smem:$0x3FB1] =	sst s10  }
0x32: {  	s10 =	sld [smem:$0x3FAF];
	_ =	sdelay $0x3  }
0x33: {  	p0 =	seq.s32 s10, $0x1;
	s10 =	sld [smem:$0x3FB1];
	_ =	sdelay $0x3  }
0x34: {  	[smem:$0x3FB1] =	sst s10  }
0x35: {  	s10 =	sld [smem:$0x3FB0];
	_ =	sdelay $0x3  }
0x36: {  	p1 =	seq.s32 s10, $0x1;
	s10 =	sld [smem:$0x3FB1];
	_ =	sdelay $0x3  }
0x37: {  	[smem:$0x3FB1] =	sst s10  }
0x38: {  	s10 =	sld [smem:$0x3FB2]  }
0x39: {  	_ = 	snop;
	(pc) =	sbr.ind lr, $3  }
0x3a: {  	_ = 	snop  }
0x3b: {  	_ = 	snop  }
0x3c: {  	p2 =	seq.s32 s10, $0x1;
	s10 =	sld [smem:$0x3FB1]  }
0x3d: {  	_ =	shalt  }
0x3e: {  	_ =	shalt  }
0x3f: {  	_ =	shalt  }
0x40: {  	_ =	shalt  }
0x41: {  	_ =	shalt  }
0x42: {  	_ =	shalt  }
0x43: {  	_ =	shalt  }
0x44: {  	_ =	shalt  }
0x45: {  	_ =	shalt  }
0x46: {  	_ =	shalt  }
0x47: {  	_ =	shalt  }
0x48: {  	_ =	shalt  }
0x49: {  	_ =	shalt  }
0x4a: {  	_ =	shalt  }
0x4b: {  	_ =	shalt  }
0x4c: {  	_ =	shalt  }
0x4d: {  	_ =	shalt  }
0x4e: {  	_ =	shalt  }
0x4f: {  	_ =	shalt  }
0x50: {  	_ =	shalt  }
0x51: {  	_ =	shalt  }
0x52: {  	_ =	shalt  }
0x53: {  	_ =	shalt  }
0x54: {  	_ =	shalt  }
0x55: {  	_ =	shalt  }
0x56: {  	_ =	shalt  }
0x57: {  	_ =	shalt  }
0x58: {  	_ =	shalt  }
0x59: {  	_ =	shalt  }
0x5a: {  	_ =	shalt  }
0x5b: {  	_ =	shalt  }
0x5c: {  	_ =	shalt  }
0x5d: {  	_ =	shalt  }
0x5e: {  	_ =	shalt  }
0x5f: {  	_ =	shalt  }
0x60: {  	_ =	shalt  }
0x61: {  	_ =	shalt  }
0x62: {  	_ =	shalt  }
0x63: {  	_ =	shalt  }
0x64: {  	_ =	shalt  }
0x65: {  	_ =	shalt  }
0x66: {  	_ =	shalt  }
0x67: {  	_ =	shalt  }
0x68: {  	_ =	shalt  }
0x69: {  	_ =	shalt  }
0x6a: {  	_ =	shalt  }
0x6b: {  	_ =	shalt  }
0x6c: {  	_ =	shalt  }
0x6d: {  	_ =	shalt  }
0x6e: {  	_ =	shalt  }
0x6f: {  	_ =	shalt  }
0x70: {  	_ =	shalt  }
0x71: {  	_ =	shalt  }
0x72: {  	_ =	shalt  }
0x73: {  	_ =	shalt  }
0x74: {  	_ =	shalt  }
0x75: {  	_ =	shalt  }
0x76: {  	_ =	shalt  }
0x77: {  	_ =	shalt  }
0x78: {  	_ =	shalt  }
0x79: {  	_ =	shalt  }
0x7a: {  	_ =	shalt  }
0x7b: {  	_ =	shalt  }
0x7c: {  	_ =	shalt  }
0x7d: {  	_ =	shalt  }
0x7e: {  	_ =	shalt  }
0x7f: {  	_ =	shalt  }
0x80: {  	_ =	shalt  }
0x81: {  	_ =	shalt  }
0x82: {  	_ =	shalt  }
0x83: {  	_ =	shalt  }
0x84: {  	_ =	shalt  }
0x85: {  	_ =	shalt  }
0x86: {  	_ =	shalt  }
0x87: {  	_ =	shalt  }
.Lfunc_end0:
.L_simem_size_0:
called_computation_lowered:
.L_overlay_start_0:
0x88: {  	s2 =	sld [smem:$0x3FD9]  }
0x89: {  	s3 =	sld [smem:$0x3FFE];
	_ =	sdelay $0x1  }
0x8a: {  	s1 =	srdreg.scid  }
0x8b: {  	s0 =	sand.u32 $0x1, s1  }
0x8c: {  	s16 =	sshll.u32 s0, $0xA;
	s2 =	sadd.s32 s3, s2  }
0x8d: {  	s2 =	sadd.s32 s2, s16  }
0x8e: {  	[smem:$0x3FBD] =	sst s2  }
0x8f: {  	_ = 	snop  }
0x90: {  	(tm) =	ssettm $0x1  }
0x91: {  	s17 =	sld [smem:$0x3FFB];
	_ =	sdelay $0x3  }
0x92: {  	_ =	strace s17  }
0x93: {  	s2 =	sld [smem:$0x3FFC];
	_ =	sdelay $0x3  }
0x94: {  	_ =	strace s2  }
0x95: {  	s2 =	sld [smem:$0x3FFD];
	_ =	sdelay $0x3  }
0x96: {  	_ =	strace s2  }
0x97: {  	_ =	strace $0x8FFFFFFF  }
0x98: {  	s18 =	sld [smem:$0x3FDB];
	_ =	sdelay $0x1  }
0x99: {  	s19 =	simm.s32 $_scs_section_size  }
0x9a: {  	s4 =	simm.s32 $_size__tile_overlayer_lowered;
	s5 =	simm.s32 $_tile_overlayer_lowered  }
0x9b: {  	s22 =	simm.s32 $0x1BFF;
	s21 =	sshll.u32 s5, $0x1;
	s2 =	sadd.s32 s19, s18  }
0x9c: {  	s6 =	simm.s32 $0x0;
	s20 =	sshll.u32 s4, $0x1;
	s4 =	sadd.s32 s21, s2  }
0x9d: {  	[timem:s6], [sflag:s22] =	dma.local [hbm:s4], s20  }
0x9e: {  	_ =	swait.ge [sflag:s22], s20  }
0x9f: {  	s3 =	ssub.s32 $0x0, s20;
	[sflag:s22] =	ssyncset.done $0x0  }
0xa0: {  	[sflag:s22] =	ssyncadd.s32 s3;
	_ =	sdelay $0x1  }
0xa1: {  	s23 =	simm.s32 $0x1B8B  }
0xa2: {  	_ =	swait.ge [sflag:s23], $0x1  }
0xa3: {  	[sflag:s23] =	ssyncset.done $0x0  }
0xa4: {  	s25 =	simm.s32 $0x1B8E;
	s24 =	sld [smem:$0x3FFE];
	[sflag:s23] =	ssyncadd.s32 $0xFFFFFFFF  }
0xa5: {  	s26 =	simm.s32 $execute0_lowered;
	[smem:$0x3FD2] =	sst s25  }
0xa6: {  	s4 =	sshll.u32 s26, $0x1;
	_ =	strace $0x80000046;
	[dreg:$0x1] =	wrdreg $0xFFFFFFFF  }
0xa7: {  	s28 =	simm.s32 $_size_execute0_lowered;
	s2 =	sadd.s32 s2, s4;
	[dreg:$0x0] =	wrdreg $0x0  }
0xa8: {  	s4 =	sshll.u32 s28, $0x1;
	[dreg:$0x2] =	wrdreg s2  }
0xa9: {  	[dreg:$0x3] =	wrdreg s4  }
0xaa: {  	[dreg:$0x4] =	wrdreg $0xC0  }
0xab: {  	_ =	task [dreg:s6], $0x5FFFF  }
0xac: {  	[dreg:$0x1] =	wrdreg $0xFFFFFFFF  }
0xad: {  	[dreg:$0x0] =	wrdreg $0x60  }
0xae: {  	[dreg:$0x2] =	wrdreg s24  }
0xaf: {  	[dreg:$0x3] =	wrdreg $0x51000  }
0xb0: {  	[dreg:$0x4] =	wrdreg $0x9  }
0xb1: {  	_ =	task.clear_ibuf [dreg:s6], $0x5FFFF;
	_ =	strace $0x90000046  }
0xb2: {  	s29 =	simm.s32 $0x9;
	_ =	strace $0x80000048  }
0xb3: {  	_ =	swait.ge [sflag:s29], $0x1  }
0xb4: {  	[sflag:s29] =	ssyncadd.s32 $0xFFFFFFFF  }
0xb5: {  	_ =	strace $0x90000048  }
0xb6: {  	_ =	sfence  }
0xb7: {  	s30 =	sld [smem:$0x0];
	_ =	sdelay $0x2  }
0xb8: {  	s31 =	sshll.u32 s1, $0xD;
	s1 =	sshrl.u32 s1, $0x2  }
0xb9: {  	s3 =	sand.u32 $0x4000, s31;
	s1 =	sadd.s32 s1, s30  }
0xba: {  	s0 =	sor.u32 s3, s0;
	s1 =	sshll.u32 s1, $0x11  }
0xbb: {  	s0 =	sor.u32 s1, s0  }
0xbc: {  	s0 =	sadd.s32 $0x8F2B, s0  }
0xbd: {  	[sflag:s0] =	ssyncadd.remote.s32 $0x1  }
0xbe: {  	_ =	sfence.sel $0xFFFF  }
0xbf: {  	[dreg:$0x0] =	wrdreg $0xFFFFFFFF;
	(pc) =	sbr.abs _section_cstart, $3  }
0xc0: {  	[dreg:$0x1] =	wrdreg $0xFFFFFFFF  }
0xc1: {  	_ =	task.clear_ibuf [dreg:s6], $0x2FFFF;
	_ =	strace $0x9FFFFFFF  }
0xc2: {  	(tm) =	ssettm $0x7FFFFFFF  }
0xc3: {  	_ =	shalt  }
tec
execute0_lowered:
.L_overlay_start_1:
0x0: {  	(tag) =	ssettag $0x1  }
0x1: {  	s8 =	rddreg [dreg:$0x0]  }
0x2: {  	s2 =	rddreg [dreg:$0x1]  }
0x3: {  	s0 =	rddreg [dreg:$0x2];
	s4 =	srdreg.scid  }
0x4: {  	s1 =	stileid.u32;
	s3 =	simm.s32 $0x0;
	s16 =	simm.s32 $0x100  }
0x5: {  	s17 =	simm.s32 $0x3;
	s18 =	simm.s32 $0x80;
	s19 =	simm.s32 $0x4900  }
0x6: {  	s20 =	simm.s32 $0x1;
	s21 =	simm.s32 $0x2;
	s9 =	sand.u32 $0x1, s4  }
0x7: {  	s10 =	smul.u32 $0x16800, s1;
	[smem:$0x7FF] =	sst s3;
	s4 =	sadd.s32 $0x16000, s8  }
0x8: {  	s5 =	sadd.s32 $0x43000, s8;
	s6 =	sadd.s32 $0xBE00, s8;
	s12 =	smul.u32 $0x5A000, s1  }
0x9: {  	s7 =	smul.u32 $0x168000, s9;
	_ =	strace $0x80000047;
	s13 =	ssub.s32 $0x2, s9  }
0xa: {  	s30 =	sshll.u32 s9, $0x4;
	s28 =	sshrl.u32 s13, $0x1;
	s29 =	sshrl.u32 s12, $0x2  }
0xb: {  	s31 =	sor.u32 s1, s30;
	s11 =	sadd.s32 s10, s7;
	s7 =	sadd.s32 $0x1C00, s8  }
0xc: {  	s15 =	ssub.s32 s13, s28;
	s12 =	sadd.s32 s29, s2;
	s13 =	smul.u32 $0x2880, s31  }
0xd: {  	s11 =	sshrl.u32 s11, $0x3;
	s9 =	sadd.s32 $0x4800, s12;
	s15 =	smax.u32 s15, $0x1  }
0xe: {  	s14 =	sadd.s32 s11, s8;
	s8 =	sadd.s32 s10, s2;
	s10 =	sadd.s32 $0x9000, s12  }
0xf: {  	v0 =	vimm.f32 $0.0e+00;
	s11 =	sadd.s32 $0xD800, s12;
	s12 =	sadd.s32 $0x12000, s12;
	s14 =	sadd.s32 $0x48000, s14  }
.LBB2_1:
0x10: {  	s22 =	simm.s32 $0x0;
	s23 =	simm.s32 $0x240  }
.LBB2_2:
0x11: {  	p0 =	sne.s32 s23, $0x11DC0;
	[tilespmem:s22+$0x180] =	vst v0  }
0x12: {  	[tilespmem:s22+$0x100] =	vst v0  }
0x13: {  	[tilespmem:s22+$0x110] =	vst v0  }
0x14: {  	[tilespmem:s22+$0x120] =	vst v0  }
.Ltmp0:
0x15: {  	[tilespmem:s22+$0x130] =	vst v0;
	(pc) =	sbr.rel @p0 .LBB2_2-.Ltmp0, $4  }
0x16: {  	[tilespmem:s22+$0x140] =	vst v0  }
0x17: {  	[tilespmem:s22+$0x150] =	vst v0  }
0x18: {  	[tilespmem:s22+$0x160] =	vst v0  }
0x19: {  	[tilespmem:s22+$0x170] =	vst v0;
	s22 =	sshra.s32 s23, $0x2;
	s23 =	sadd.s32 $0x240, s23  }
0x1a: {  	[tilespmem:s22+$0x180] =	vst v0  }
0x1b: {  	[tilespmem:s22+$0x100] =	vst v0  }
0x1c: {  	[tilespmem:s22+$0x110] =	vst v0  }
0x1d: {  	[tilespmem:s22+$0x120] =	vst v0  }
0x1e: {  	[tilespmem:s22+$0x130] =	vst v0  }
0x1f: {  	[tilespmem:s22+$0x140] =	vst v0  }
0x20: {  	[tilespmem:s22+$0x150] =	vst v0  }
0x21: {  	[tilespmem:s22+$0x160] =	vst v0  }
0x22: {  	[tilespmem:s22+$0x170] =	vst v0  }
0x23: {  	[spmem:s8] =	stream.linear.scatter [tilespmem:s16], [sflag:$0x3], $0x4800, $0x38;
	[tilespmem:$0x1B900] =	vst v63  }
0x24: {  	_ =	swait.ge [sflag:s17], $0x4800  }
0x25: {  	[sflag:s17] =	ssyncset.done $0x0  }
0x26: {  	[sflag:s17] =	ssyncadd.s32 $0xFFFFB800  }
0x27: {  	[spmem:s9] =	stream.linear.scatter [tilespmem:s16], [sflag:$0x3], $0x4800, $0x38;
	[tilespmem:$0x1B900] =	vst v63  }
0x28: {  	_ =	swait.ge [sflag:s17], $0x4800  }
0x29: {  	[sflag:s17] =	ssyncset.done $0x0  }
0x2a: {  	[sflag:s17] =	ssyncadd.s32 $0xFFFFB800  }
0x2b: {  	[spmem:s10] =	stream.linear.scatter [tilespmem:s16], [sflag:$0x3], $0x4800, $0x38;
	[tilespmem:$0x1B900] =	vst v63  }
0x2c: {  	_ =	swait.ge [sflag:s17], $0x4800  }
0x2d: {  	[sflag:s17] =	ssyncset.done $0x0  }
0x2e: {  	[sflag:s17] =	ssyncadd.s32 $0xFFFFB800  }
0x2f: {  	[spmem:s11] =	stream.linear.scatter [tilespmem:s16], [sflag:$0x3], $0x4800, $0x38;
	[tilespmem:$0x1B900] =	vst v63  }
0x30: {  	_ =	swait.ge [sflag:s17], $0x4800  }
0x31: {  	[sflag:s17] =	ssyncset.done $0x0  }
0x32: {  	[sflag:s17] =	ssyncadd.s32 $0xFFFFB800  }
0x33: {  	[spmem:s12] =	stream.linear.scatter [tilespmem:s16], [sflag:$0x3], $0x4800, $0x38;
	[tilespmem:$0x1B900] =	vst v63  }
0x34: {  	_ =	swait.ge [sflag:s17], $0x4800  }
0x35: {  	[sflag:s17] =	ssyncset.done $0x0  }
0x36: {  	[sflag:s17] =	ssyncadd.s32 $0xFFFFB800  }
0x37: {  	s22 =	simm.s32 $0x0;
	s23 =	simm.s32 $0x0;
	[bflag:$0x0] =	sbarrier.arrive $0xFFFF  }
.LBB2_4:
0x38: {  	s24 =	sshll.u32 s23, $0x7  }
0x39: {  	s24 =	sadd.s32 s13, s24  }
0x3a: {  	s24 =	sshrl.u32 s24, $0x3  }
0x3b: {  	s25 =	sadd.s32 s6, s24  }
0x3c: {  	[tilespmem:s22], [sflag:$0x3] =	stream.linear.gather [hbm4b:s25+s22], $0x80, $0x38;
	[tilespmem:$0x1B900] =	vst v63  }
0x3d: {  	_ =	swait.ge [sflag:s17], $0x80  }
0x3e: {  	[sflag:s17] =	ssyncset.done $0x0  }
0x3f: {  	s24 =	sadd.s32 s7, s24;
	[sflag:s17] =	ssyncadd.s32 $0xFFFFFF80  }
0x40: {  	[tilespmem:s18], [sflag:$0x3] =	stream.linear.gather [hbm4b:s24+s22], $0x80, $0x38;
	[tilespmem:$0x1B900] =	vst v63  }
0x41: {  	_ =	swait.ge [sflag:s17], $0x80  }
0x42: {  	[sflag:s17] =	ssyncset.done $0x0  }
0x43: {  	[sflag:s17] =	ssyncadd.s32 $0xFFFFFF80  }
0x44: {  	[tilespmem:s16], [sflag:$0x1] =	stream.indirect.gather [hbm4b:s4+s18], $0x90, s22, s18, $0xb8;
	[tilespmem:$0x1B900] =	vst v63  }
0x45: {  	_ = 	snop  }
0x46: {  	[tilespmem:s19], [sflag:$0x2] =	stream.indirect.gather [hbm4b:s5+s18], $0x10, s18, s18, $0xb8;
	[tilespmem:$0x1B900] =	vst v63  }
0x47: {  	_ =	swait.ge [sflag:s20], $0x4800  }
0x48: {  	[sflag:s20] =	ssyncset.done $0x0  }
0x49: {  	[sflag:s20] =	ssyncadd.s32 $0xFFFFB800  }
0x4a: {  	_ =	swait.ge [sflag:s21], $0x800  }
0x4b: {  	[sflag:s21] =	ssyncset.done $0x0  }
0x4c: {  	s24 =	simm.s32 $0x140;
	[sflag:s21] =	ssyncadd.s32 $0xFFFFF800  }
0x4d: {  	s28 =	simm.s32 $0x0;
	s26 =	simm.s32 $0x40;
	s25 =	simm.s32 $0x140;
	v1 =	vld [tilespmem:s24+$0x40]  }
.LBB2_5:
0x4e: {  	p0 =	sne.s32 s26, $0x1FC0;
	v2 =	vld [tilespmem:s28+$0x4900];
	_ =	sdelay $0x4  }
0x4f: {  	v1 =	vadd.f32 v2, v1;
	_ =	sdelay $0x1  }
0x50: {  	v2 =	vmul.f32 $2.000000030e-01, v1;
	_ =	sdelay $0x1  }
0x51: {  	v1 =	vmax.f32 v1, v2  }
0x52: {  	v1 =	vmul.f32 $1.442695020e+00, v1;
	_ =	sdelay $0x1  }
0x53: {  	(erf) = vpow2.f32 v1;
	_ =	sdelay $0x4  }
0x54: {  	v1 =	vld [tilespmem:s24+$0xFFFFFFF0]  }
0x55: {  	v2 =	vld [tilespmem:s24+$0xFFFFFFD0]  }
0x56: {  	v3 =	vld [tilespmem:s24+$0xFFFFFFC0]  }
0x57: {  	v4 =	vld [tilespmem:s24+$0xFFFFFFE0]  }
0x58: {  	v5 =	vld [tilespmem:s24+$0x30];
	v6 =	vpop (erf)  }
0x59: {  	[tilespmem:s24+$0x40] =	vst v6;
	v7 =	vbroadcast v6, $0x0;
	v8 =	vbroadcast v6, $0x1;
	v9 =	vld [tilespmem:s24+$0x10]  }
0x5a: {  	v10 =	vbroadcast v6, $0x2;
	v11 =	vbroadcast v6, $0x3;
	v12 =	vld [tilespmem:s24+$0x0]  }
0x5b: {  	v3 =	vmul.f32 v7, v3;
	v2 =	vmul.f32 v8, v2;
	v7 =	vld [tilespmem:s24+$0x20]  }
0x5c: {  	v1 =	vmul.f32 v1, v11;
	v4 =	vmul.f32 v10, v4  }
0x5d: {  	v8 =	vbroadcast v6, $0x5;
	[tilespmem:s24+$0xFFFFFFC0] =	vst v3;
	v3 =	vbroadcast v6, $0x4  }
0x5e: {  	[tilespmem:s24+$0xFFFFFFD0] =	vst v2;
	v2 =	vbroadcast v6, $0x6;
	v6 =	vbroadcast v6, $0x7  }
0x5f: {  	[tilespmem:s24+$0xFFFFFFE0] =	vst v4;
	v3 =	vmul.f32 v12, v3;
	v4 =	vmul.f32 v9, v8  }
.Ltmp1:
0x60: {  	[tilespmem:s24+$0xFFFFFFF0] =	vst v1;
	v1 =	vmul.f32 v7, v2;
	v2 =	vmul.f32 v5, v6;
	(pc) =	sbr.rel @p0 .LBB2_5-.Ltmp1, $4  }
0x61: {  	[tilespmem:s24+$0x0] =	vst v3  }
0x62: {  	[tilespmem:s24+$0x10] =	vst v4  }
0x63: {  	s24 =	sadd.s32 $0x90, s24;
	[tilespmem:s25+$0x20] =	vst v1  }
0x64: {  	s28 =	sshra.s32 s26, $0x2;
	s26 =	sadd.s32 $0x40, s26;
	v1 =	vld [tilespmem:s24+$0x40];
	[tilespmem:s25+$0x30] =	vst v2;
	s25 =	smov.u32 s24  }
0x65: {  	v2 =	vld [tilespmem:s28+$0x4900];
	_ =	sdelay $0x4  }
0x66: {  	v1 =	vadd.f32 v2, v1;
	_ =	sdelay $0x1  }
0x67: {  	v2 =	vmul.f32 $2.000000030e-01, v1;
	_ =	sdelay $0x1  }
0x68: {  	v1 =	vmax.f32 v1, v2  }
0x69: {  	v1 =	vmul.f32 $1.442695020e+00, v1;
	_ =	sdelay $0x1  }
0x6a: {  	(erf) = vpow2.f32 v1;
	_ =	sdelay $0x6  }
0x6b: {  	v2 =	vld [tilespmem:s24+$0xFFFFFFC0]  }
0x6c: {  	v3 =	vld [tilespmem:s24+$0xFFFFFFD0]  }
0x6d: {  	v4 =	vld [tilespmem:s24+$0xFFFFFFE0];
	v5 =	vpop (erf)  }
0x6e: {  	v1 =	vld [tilespmem:s24+$0xFFFFFFF0];
	v7 =	vbroadcast v5, $0x0  }
0x6f: {  	v10 =	vld [tilespmem:s24+$0x10];
	v8 =	vbroadcast v5, $0x1  }
0x70: {  	v9 =	vld [tilespmem:s24+$0x0];
	v11 =	vbroadcast v5, $0x2;
	v2 =	vmul.f32 v7, v2  }
0x71: {  	v60 =	vld [tilespmem:s24+$0x20];
	[tilespmem:s24+$0x40] =	vst v5;
	v59 =	vbroadcast v5, $0x3;
	v3 =	vmul.f32 v8, v3  }
0x72: {  	v6 =	vld [tilespmem:s24+$0x30];
	v61 =	vbroadcast v5, $0x5;
	v4 =	vmul.f32 v11, v4;
	[tilespmem:s24+$0xFFFFFFC0] =	vst v2  }
0x73: {  	v1 =	vmul.f32 v1, v59;
	v2 =	vbroadcast v5, $0x4;
	[tilespmem:s24+$0xFFFFFFD0] =	vst v3  }
0x74: {  	v63 =	vmul.f32 v10, v61;
	v3 =	vbroadcast v5, $0x6;
	[tilespmem:s24+$0xFFFFFFE0] =	vst v4  }
0x75: {  	v62 =	vbroadcast v5, $0x7;
	[tilespmem:s24+$0xFFFFFFF0] =	vst v1;
	v2 =	vmul.f32 v9, v2  }
0x76: {  	[tilespmem:s24+$0x10] =	vst v63;
	v1 =	vmul.f32 v60, v3  }
0x77: {  	s23 =	sadd.s32 $0x1, s23;
	[tilespmem:s24+$0x0] =	vst v2;
	v2 =	vmul.f32 v6, v62  }
0x78: {  	p0 =	sne.s32 s23, $0x51;
	[tilespmem:s25+$0x20] =	vst v1  }
.Ltmp2:
0x79: {  	[tilespmem:s25+$0x30] =	vst v2;
	(pc) =	sbr.rel @p0 .LBB2_4-.Ltmp2, $4  }
0x7a: {  	[spmem:s2] =	stream.indirect.scatter.add.f32 [tilespmem:s16], [sflag:$0x3], $0x90, s18, s18, $0xb8;
	[tilespmem:$0x1B900] =	vst v63  }
0x7b: {  	_ =	swait.ge [sflag:s17], $0x4800  }
0x7c: {  	[sflag:s17] =	ssyncset.done $0x0  }
0x7d: {  	[sflag:s17] =	ssyncadd.s32 $0xFFFFB800  }
0x7e: {  	s3 =	sadd.s32 $0x1, s3  }
0x7f: {  	s22 =	sshll.u32 s1, $0x6;
	[bflag:$0x0] =	sbarrier.arrive $0xFFFF;
	p0 =	sne.s32 s3, s15  }
.Ltmp3:
0x80: {  	s23 =	sshrl.u32 s8, $0x3;
	s22 =	sor.u32 $0x1C03, s22;
	(pc) =	sbr.rel @p0 .LBB2_1-.Ltmp3, $4  }
0x81: {  	[hbm:s14], [sflag:s22] =	dma.local [spmem:s23], $0x2D00  }
0x82: {  	_ =	swait.ge [sflag:s17], $0x2D00  }
0x83: {  	[sflag:s17] =	ssyncset.done $0x0  }
0x84: {  	[sflag:s17] =	ssyncadd.s32 $0xFFFFD300  }
0x85: {  	_ =	sfence.sel $0x180000  }
0x86: {  	[bflag:$0x0] =	sbarrier.arrive $0xFFFF  }
0x87: {  	p0 =	sne.s32 s1, $0x0;
	_ =	strace $0x90000047  }
0x88: {  	s0 =	sadd.s32 @!p0 $0x100000, s0;
	[bflag:$0x2] =	sbarrier.arrive $0xFFFF  }
0x89: {  	[sflag:s0] =	ssyncadd.tile.s32 @!p0 $0x1;
	_ =	shalt  }
.Lfunc_end2:
_tile_overlayer_lowered:
.L_overlay_start_2:
0x8a: {  	(tag) =	ssettag $0x2  }
0x8b: {  	s0 =	rddreg [dreg:$0x0];
	s2 =	stileid.u32  }
0x8c: {  	s1 =	rddreg [dreg:$0x1];
	p0 =	sne.s32 s2, $0x0  }
0x8d: {  	s3 =	rddreg [dreg:$0x2];
	[bflag:$0x3] =	sbarrier.arrive $0xFFFF;
	s2 =	simm.s32 @!p0 $0x1C03  }
0x8e: {  	[timem:s3], [sflag:s2] =	dma.local @!p0 [hbm:s0], s1  }
0x8f: {  	s0 =	simm.s32 @!p0 $0x3  }
0x90: {  	_ =	swait.ge @!p0 [sflag:s0], s1  }
0x91: {  	s1 =	ssub.s32 @!p0 $0x0, s1;
	[sflag:s0] =	ssyncset.done @!p0 $0x0  }
0x92: {  	[sflag:s0] =	ssyncadd.s32 @!p0 s1  }
0x93: {  	[bflag:$0x3] =	sbarrier.arrive $0xFFFF  }
0x94: {  	_ =	shalt  }

</sc_bundles>
